<compile_context>
chip_gen: v7x
topology: tpu7x:2x2x1
jax: 0.10.2.dev20260603
libtpu: 0.0.44.dev20260713+nightly
codegen_flags: <defaults>
</compile_context>

<pallas_src>
import math

import jax
import jax.numpy as jnp
from jax import lax
from jax.experimental import pallas as pl
from jax.experimental.pallas import tpu as pltpu
from jax.experimental.pallas import tpu_sc as plsc

D_MODEL = 768
SCALE = math.sqrt(float(D_MODEL))
NUM_CORES = 2
NUM_SUBCORES = 16
NUM_WORKERS = NUM_CORES * NUM_SUBCORES
LANES = 16
CHUNK = 32
NBUF = 4
LA = 3


def _emb_body(idx_hbm, table_hbm, out_hbm, idx_v, rows_v, sem_g, sem_o):
    bsz, t = idx_hbm.shape
    n_idx = bsz * t
    rows_per_worker = n_idx // NUM_WORKERS
    n_chunks = rows_per_worker // CHUNK
    w_per_row = t // rows_per_worker

    wid = lax.axis_index("s") * NUM_CORES + lax.axis_index("c")
    base = wid * rows_per_worker

    pltpu.sync_copy(
        idx_hbm.at[wid // w_per_row, pl.ds((wid % w_per_row) * rows_per_worker, rows_per_worker)],
        idx_v,
    )

    def issue_gather(c, b):
        pltpu.async_copy(
            table_hbm.at[idx_v.at[pl.ds(c * CHUNK, CHUNK)]],
            rows_v.at[b],
            sem_g.at[b],
        )

    def wait_gather(b):
        pltpu.make_async_copy(
            table_hbm.at[idx_v.at[pl.ds(0, CHUNK)]],
            rows_v.at[b],
            sem_g.at[b],
        ).wait()

    def issue_out(g, b):
        pltpu.async_copy(
            rows_v.at[b],
            out_hbm.at[pl.ds(base + g * CHUNK, CHUNK)],
            sem_o.at[b],
        )

    def wait_out(b):
        pltpu.make_async_copy(
            rows_v.at[b],
            out_hbm.at[pl.ds(base, CHUNK)],
            sem_o.at[b],
        ).wait()

    for c in range(LA):
        issue_gather(c, c % NBUF)

    @pl.loop(0, n_chunks)
    def chunk_body(g):
        b = lax.rem(g, NBUF)
        wait_gather(b)

        c = g + LA
        bc = lax.rem(c, NBUF)
        @pl.when(c < n_chunks)
        def _():
            @pl.when(c >= NBUF)
            def _():
                wait_out(bc)

            issue_gather(c, bc)

        half = CHUNK // 2

        @pl.loop(0, half)
        def scale_row_lo(r):
            @pl.loop(0, D_MODEL // LANES, unroll=8)
            def scale_slice(j):
                sl = pl.ds(j * LANES, LANES)
                rows_v[b, r, sl] = rows_v[b, r, sl] * SCALE

        pltpu.async_copy(
            rows_v.at[b, pl.ds(0, half)],
            out_hbm.at[pl.ds(base + g * CHUNK, half)],
            sem_o.at[b],
        )

        @pl.loop(half, CHUNK)
        def scale_row_hi(r):
            @pl.loop(0, D_MODEL // LANES, unroll=8)
            def scale_slice(j):
                sl = pl.ds(j * LANES, LANES)
                rows_v[b, r, sl] = rows_v[b, r, sl] * SCALE

        pltpu.async_copy(
            rows_v.at[b, pl.ds(half, half)],
            out_hbm.at[pl.ds(base + g * CHUNK + half, half)],
            sem_o.at[b],
        )

    for b in range(NBUF):
        wait_out(b)


@jax.jit
def kernel(input_ids, token_emb_weight):
    b, t = input_ids.shape
    n_idx = b * t
    ids32 = input_ids.astype(jnp.int32)

    grid_kernel = pl.kernel(
        _emb_body,
        out_type=jax.ShapeDtypeStruct((n_idx, D_MODEL), jnp.float32),
        mesh=plsc.VectorSubcoreMesh(
            core_axis_name="c",
            subcore_axis_name="s",
            num_cores=NUM_CORES,
            num_subcores=NUM_SUBCORES,
        ),
        scratch_types=[
            pltpu.VMEM((n_idx // NUM_WORKERS,), jnp.int32),
            pltpu.VMEM((NBUF, CHUNK, D_MODEL), jnp.float32),
            pltpu.SemaphoreType.DMA((NBUF,)),
            pltpu.SemaphoreType.DMA((NBUF,)),
        ],
    )
    out = grid_kernel(ids32, token_emb_weight)
    return out.reshape(b, t, D_MODEL)

# --- scband reference (transcript-rebuilt; emitter-appended) ---
"""Pipeline reference for scband-token-embedding-17300128268755 (READ-ONLY COPY).

The authoritative reference and input builder live on the scoring server;
editing this copy changes nothing except your own understanding.
"""

import jax, jax.numpy as jnp
import numpy as np
import math

VOCAB = 100000
D_MODEL = 768
B = 4
T = 4096

def setup_inputs(seed: int = 0) -> dict:
    key = jax.random.key(seed)
    k_idx, k_w = jax.random.split(key)
    input_ids = jax.random.randint(k_idx, (B, T), 0, VOCAB, dtype=jnp.int64 if jax.config.jax_enable_x64 else jnp.int32)
    token_emb_weight = jax.random.normal(k_w, (VOCAB, D_MODEL), dtype=jnp.float32) * 0.02
    return {"input_ids": input_ids, "token_emb_weight": token_emb_weight}

def reference(input_ids, token_emb_weight):
    # Embedding lookup (gather) followed by sqrt(d_model) scaling.
    # Dropout is identity at inference time.
    x = jnp.take(token_emb_weight, input_ids, axis=0) * math.sqrt(D_MODEL)
    return x

if __name__ == "__main__":
    import jax
    _d = setup_inputs()
    print(jax.jit(kernel)(*tuple(_d.values())))

</pallas_src>

<mosaic_0001>
#map = affine_map<(d0, d1) -> (0, 0)>
module attributes {stable_mosaic.version = 14 : i64} {
  func.func @_emb_body(%arg0: i32, %arg1: i32, %arg2: memref<4x4096xi32, #tpu.memory_space<hbm>>, %arg3: memref<100000x768xf32, #tpu.memory_space<hbm>>, %arg4: memref<16384x768xf32, #tpu.memory_space<hbm>>, %arg5: memref<512xi32, #tpu.memory_space<vmem>>, %arg6: memref<4x32x768xf32, #tpu.memory_space<vmem>>, %arg7: memref<4x!tpu.dma_semaphore, #tpu.memory_space<semaphore_mem>>, %arg8: memref<4x!tpu.dma_semaphore, #tpu.memory_space<semaphore_mem>>) attributes {dimension_semantics = [#tpu.dimension_semantics<core_parallel>, #tpu.dimension_semantics<subcore_parallel>], iteration_bounds = array<i64: 2, 16>, scalar_prefetch = 0 : i64, scratch_operands = 4 : i64, tpu.core_type = #tpu.core_type<sc_vector_subcore>, window_params = [{transform_indices = #map}, {transform_indices = #map}, {transform_indices = #map}]} {
    %mul3A = arith.constant 2 : i32
    %mul3A_0 = arith.muli %arg1, %mul3A : i32
    %add3A = arith.addi %mul3A_0, %arg0 : i32
    %mul3A_1 = arith.constant 512 : i32
    %mul3A_2 = arith.muli %add3A, %mul3A_1 : i32
    %jit3A = arith.constant 8 : i32
    %div3A = arith.divsi %add3A, %jit3A : i32
    %sign3A = arith.constant 0 : i32
    %sign3A_3 = arith.cmpi sgt, %add3A, %sign3A : i32
    %sign3A_4 = arith.extui %sign3A_3 : i1 to i32
    %sign3A_5 = arith.constant 0 : i32
    %sign3A_6 = arith.cmpi slt, %add3A, %sign3A_5 : i32
    %sign3A_7 = arith.extui %sign3A_6 : i1 to i32
    %sign3A_8 = arith.subi %sign3A_4, %sign3A_7 : i32
    %sign3A_9 = arith.constant 0 : i32
    %sign3A_10 = arith.cmpi sgt, %jit3A, %sign3A_9 : i32
    %sign3A_11 = arith.extui %sign3A_10 : i1 to i32
    %sign3A_12 = arith.constant 0 : i32
    %sign3A_13 = arith.cmpi slt, %jit3A, %sign3A_12 : i32
    %sign3A_14 = arith.extui %sign3A_13 : i1 to i32
    %sign3A_15 = arith.subi %sign3A_11, %sign3A_14 : i32
    %ne3A = arith.cmpi ne, %sign3A_8, %sign3A_15 : i32
    %rem3A = arith.remsi %add3A, %jit3A : i32
    %ne3A_16 = arith.constant 0 : i32
    %ne3A_17 = arith.cmpi ne, %rem3A, %ne3A_16 : i32
    %and3A = arith.andi %ne3A, %ne3A_17 : i1
    %sub3A = arith.constant 1 : i32
    %sub3A_18 = arith.subi %div3A, %sub3A : i32
    %select_n3A = arith.select %and3A, %sub3A_18, %div3A : i32
    %jit3A_19 = arith.constant 8 : i32
    %eq3A = arith.constant 0 : i32
    %eq3A_20 = arith.cmpi eq, %jit3A_19, %eq3A : i32
    %jit3A_21 = arith.constant 1 : i32
    %select_n3A_22 = arith.select %eq3A_20, %jit3A_21, %jit3A_19 : i32
    %rem3A_23 = arith.remsi %add3A, %select_n3A_22 : i32
    %ne3A_24 = arith.constant 0 : i32
    %ne3A_25 = arith.cmpi ne, %rem3A_23, %ne3A_24 : i32
    %lt3A = arith.constant 0 : i32
    %lt3A_26 = arith.cmpi slt, %rem3A_23, %lt3A : i32
    %lt3A_27 = arith.constant 0 : i32
    %lt3A_28 = arith.cmpi slt, %select_n3A_22, %lt3A_27 : i32
    %ne3A_29 = arith.xori %lt3A_26, %lt3A_28 : i1
    %and3A_30 = arith.andi %ne3A_29, %ne3A_25 : i1
    %add3A_31 = arith.addi %rem3A_23, %select_n3A_22 : i32
    %select_n3A_32 = arith.select %and3A_30, %add3A_31, %rem3A_23 : i32
    %mul3A_33 = arith.constant 512 : i32
    %mul3A_34 = arith.muli %select_n3A_32, %mul3A_33 : i32
    "tpu.region"() ({
      %run_scoped3A = tpu.sem_alloc : memref<!tpu.dma_semaphore, #tpu.memory_space<semaphore_mem>>
      %dma_start3A_140 = tpu.memref_slice %arg2[%select_n3A, %mul3A_34] : memref<4x4096xi32, #tpu.memory_space<hbm>> -> memref<1x512xi32, #tpu.memory_space<hbm>>
      %dma_start3A_141 = tpu.memref_squeeze %dma_start3A_140 : memref<1x512xi32, #tpu.memory_space<hbm>> -> memref<512xi32, #tpu.memory_space<hbm>>
      %dma_start3A_142 = tpu.memref_slice %arg2[%select_n3A, %mul3A_34] : memref<4x4096xi32, #tpu.memory_space<hbm>> -> memref<1x512xi32, #tpu.memory_space<hbm>>
      %dma_start3A_143 = tpu.memref_squeeze %dma_start3A_142 : memref<1x512xi32, #tpu.memory_space<hbm>> -> memref<512xi32, #tpu.memory_space<hbm>>
      tpu.enqueue_dma source(%dma_start3A_143 : memref<512xi32, #tpu.memory_space<hbm>>) target(%arg5 : memref<512xi32, #tpu.memory_space<vmem>>) target_semaphore(%run_scoped3A : memref<!tpu.dma_semaphore, #tpu.memory_space<semaphore_mem>>)
      %dma_wait3A_144 = tpu.memref_slice %arg2[%select_n3A, %mul3A_34] : memref<4x4096xi32, #tpu.memory_space<hbm>> -> memref<1x512xi32, #tpu.memory_space<hbm>>
      %dma_wait3A_145 = tpu.memref_squeeze %dma_wait3A_144 : memref<1x512xi32, #tpu.memory_space<hbm>> -> memref<512xi32, #tpu.memory_space<hbm>>
      %dma_wait3A_146 = tpu.memref_slice %arg2[%select_n3A, %mul3A_34] : memref<4x4096xi32, #tpu.memory_space<hbm>> -> memref<1x512xi32, #tpu.memory_space<hbm>>
      %dma_wait3A_147 = tpu.memref_squeeze %dma_wait3A_146 : memref<1x512xi32, #tpu.memory_space<hbm>> -> memref<512xi32, #tpu.memory_space<hbm>>
      tpu.wait_dma2 semaphore(%run_scoped3A : memref<!tpu.dma_semaphore, #tpu.memory_space<semaphore_mem>>) src(%dma_wait3A_147 : memref<512xi32, #tpu.memory_space<hbm>>) dst(%arg5 : memref<512xi32, #tpu.memory_space<vmem>>)
      tpu.yield
    }) : () -> ()
    %dma_start3A = arith.constant 0 : i32
    %dma_start3A_35 = arith.constant 0 : i32
    %dma_start3A_36 = arith.constant 0 : i32
    %dma_start3A_37 = arith.constant 0 : i32
    %dma_start3A_38 = tpu.memref_slice %arg6[%dma_start3A, %dma_start3A_36, %dma_start3A_37] : memref<4x32x768xf32, #tpu.memory_space<vmem>> -> memref<1x32x768xf32, #tpu.memory_space<vmem>>
    %dma_start3A_39 = tpu.memref_squeeze %dma_start3A_38 : memref<1x32x768xf32, #tpu.memory_space<vmem>> -> memref<32x768xf32, #tpu.memory_space<vmem>>
    %dma_start3A_40 = arith.constant 0 : i32
    %dma_start3A_41 = tpu.memref_slice %arg5[%dma_start3A_40] : memref<512xi32, #tpu.memory_space<vmem>> -> memref<32xi32, #tpu.memory_space<vmem>>
    %dma_start3A_42 = arith.constant 0 : i32
    %dma_start3A_43 = arith.constant 0 : i32
    %dma_start3A_44 = tpu.memref_slice %arg3[%dma_start3A_42, %dma_start3A_43] : memref<100000x768xf32, #tpu.memory_space<hbm>> -> memref<100000x768xf32, #tpu.memory_space<hbm>>
    %dma_start3A_45 = tpu.memref_slice %arg7[%dma_start3A_35] : memref<4x!tpu.dma_semaphore, #tpu.memory_space<semaphore_mem>> -> memref<1x!tpu.dma_semaphore, #tpu.memory_space<semaphore_mem>>
    %dma_start3A_46 = tpu.memref_squeeze %dma_start3A_45 : memref<1x!tpu.dma_semaphore, #tpu.memory_space<semaphore_mem>> -> memref<!tpu.dma_semaphore, #tpu.memory_space<semaphore_mem>>
    tpu.enqueue_indirect_dma source(%dma_start3A_44 : memref<100000x768xf32, #tpu.memory_space<hbm>>) target(%dma_start3A_39 : memref<32x768xf32, #tpu.memory_space<vmem>>) offsets(%dma_start3A_41 : memref<32xi32, #tpu.memory_space<vmem>>) semaphore(%dma_start3A_46 : memref<!tpu.dma_semaphore, #tpu.memory_space<semaphore_mem>>)
    %dma_start3A_47 = arith.constant 1 : i32
    %dma_start3A_48 = arith.constant 1 : i32
    %dma_start3A_49 = arith.constant 0 : i32
    %dma_start3A_50 = arith.constant 0 : i32
    %dma_start3A_51 = tpu.memref_slice %arg6[%dma_start3A_47, %dma_start3A_49, %dma_start3A_50] : memref<4x32x768xf32, #tpu.memory_space<vmem>> -> memref<1x32x768xf32, #tpu.memory_space<vmem>>
    %dma_start3A_52 = tpu.memref_squeeze %dma_start3A_51 : memref<1x32x768xf32, #tpu.memory_space<vmem>> -> memref<32x768xf32, #tpu.memory_space<vmem>>
    %dma_start3A_53 = arith.constant 32 : i32
    %dma_start3A_54 = tpu.memref_slice %arg5[%dma_start3A_53] : memref<512xi32, #tpu.memory_space<vmem>> -> memref<32xi32, #tpu.memory_space<vmem>>
    %dma_start3A_55 = arith.constant 0 : i32
    %dma_start3A_56 = arith.constant 0 : i32
    %dma_start3A_57 = tpu.memref_slice %arg3[%dma_start3A_55, %dma_start3A_56] : memref<100000x768xf32, #tpu.memory_space<hbm>> -> memref<100000x768xf32, #tpu.memory_space<hbm>>
    %dma_start3A_58 = tpu.memref_slice %arg7[%dma_start3A_48] : memref<4x!tpu.dma_semaphore, #tpu.memory_space<semaphore_mem>> -> memref<1x!tpu.dma_semaphore, #tpu.memory_space<semaphore_mem>>
    %dma_start3A_59 = tpu.memref_squeeze %dma_start3A_58 : memref<1x!tpu.dma_semaphore, #tpu.memory_space<semaphore_mem>> -> memref<!tpu.dma_semaphore, #tpu.memory_space<semaphore_mem>>
    tpu.enqueue_indirect_dma source(%dma_start3A_57 : memref<100000x768xf32, #tpu.memory_space<hbm>>) target(%dma_start3A_52 : memref<32x768xf32, #tpu.memory_space<vmem>>) offsets(%dma_start3A_54 : memref<32xi32, #tpu.memory_space<vmem>>) semaphore(%dma_start3A_59 : memref<!tpu.dma_semaphore, #tpu.memory_space<semaphore_mem>>)
    %dma_start3A_60 = arith.constant 2 : i32
    %dma_start3A_61 = arith.constant 2 : i32
    %dma_start3A_62 = arith.constant 0 : i32
    %dma_start3A_63 = arith.constant 0 : i32
    %dma_start3A_64 = tpu.memref_slice %arg6[%dma_start3A_60, %dma_start3A_62, %dma_start3A_63] : memref<4x32x768xf32, #tpu.memory_space<vmem>> -> memref<1x32x768xf32, #tpu.memory_space<vmem>>
    %dma_start3A_65 = tpu.memref_squeeze %dma_start3A_64 : memref<1x32x768xf32, #tpu.memory_space<vmem>> -> memref<32x768xf32, #tpu.memory_space<vmem>>
    %dma_start3A_66 = arith.constant 64 : i32
    %dma_start3A_67 = tpu.memref_slice %arg5[%dma_start3A_66] : memref<512xi32, #tpu.memory_space<vmem>> -> memref<32xi32, #tpu.memory_space<vmem>>
    %dma_start3A_68 = arith.constant 0 : i32
    %dma_start3A_69 = arith.constant 0 : i32
    %dma_start3A_70 = tpu.memref_slice %arg3[%dma_start3A_68, %dma_start3A_69] : memref<100000x768xf32, #tpu.memory_space<hbm>> -> memref<100000x768xf32, #tpu.memory_space<hbm>>
    %dma_start3A_71 = tpu.memref_slice %arg7[%dma_start3A_61] : memref<4x!tpu.dma_semaphore, #tpu.memory_space<semaphore_mem>> -> memref<1x!tpu.dma_semaphore, #tpu.memory_space<semaphore_mem>>
    %dma_start3A_72 = tpu.memref_squeeze %dma_start3A_71 : memref<1x!tpu.dma_semaphore, #tpu.memory_space<semaphore_mem>> -> memref<!tpu.dma_semaphore, #tpu.memory_space<semaphore_mem>>
    tpu.enqueue_indirect_dma source(%dma_start3A_70 : memref<100000x768xf32, #tpu.memory_space<hbm>>) target(%dma_start3A_65 : memref<32x768xf32, #tpu.memory_space<vmem>>) offsets(%dma_start3A_67 : memref<32xi32, #tpu.memory_space<vmem>>) semaphore(%dma_start3A_72 : memref<!tpu.dma_semaphore, #tpu.memory_space<semaphore_mem>>)
    %scan3A = arith.constant 0 : i32
    %scan3A_73 = arith.constant 16 : i32
    %scan3A_74 = arith.addi %scan3A, %scan3A_73 : i32
    %scan3A_75 = arith.constant 1 : i32
    scf.for %scan3A_140 = %scan3A to %scan3A_74 step %scan3A_75  : i32 {
      %mul3A_141 = arith.constant 1 : i32
      %mul3A_142 = arith.muli %scan3A_140, %mul3A_141 : i32
      %add3A_143 = arith.constant 0 : i32
      %add3A_144 = arith.addi %add3A_143, %mul3A_142 : i32
      %rem3A_145 = arith.constant 4 : i32
      %rem3A_146 = arith.remsi %add3A_144, %rem3A_145 : i32
      %dma_wait3A_147 = arith.constant 0 : i32
      %dma_wait3A_148 = arith.constant 0 : i32
      %dma_wait3A_149 = tpu.memref_slice %arg6[%rem3A_146, %dma_wait3A_147, %dma_wait3A_148] : memref<4x32x768xf32, #tpu.memory_space<vmem>> -> memref<1x32x768xf32, #tpu.memory_space<vmem>>
      %dma_wait3A_150 = tpu.memref_squeeze %dma_wait3A_149 : memref<1x32x768xf32, #tpu.memory_space<vmem>> -> memref<32x768xf32, #tpu.memory_space<vmem>>
      %dma_wait3A_151 = arith.constant 0 : i32
      %dma_wait3A_152 = tpu.memref_slice %arg5[%dma_wait3A_151] : memref<512xi32, #tpu.memory_space<vmem>> -> memref<32xi32, #tpu.memory_space<vmem>>
      %dma_wait3A_153 = arith.constant 0 : i32
      %dma_wait3A_154 = arith.constant 0 : i32
      %dma_wait3A_155 = tpu.memref_slice %arg3[%dma_wait3A_153, %dma_wait3A_154] : memref<100000x768xf32, #tpu.memory_space<hbm>> -> memref<100000x768xf32, #tpu.memory_space<hbm>>
      %dma_wait3A_156 = tpu.memref_slice %arg7[%rem3A_146] : memref<4x!tpu.dma_semaphore, #tpu.memory_space<semaphore_mem>> -> memref<1x!tpu.dma_semaphore, #tpu.memory_space<semaphore_mem>>
      %dma_wait3A_157 = tpu.memref_squeeze %dma_wait3A_156 : memref<1x!tpu.dma_semaphore, #tpu.memory_space<semaphore_mem>> -> memref<!tpu.dma_semaphore, #tpu.memory_space<semaphore_mem>>
      tpu.wait_indirect_dma semaphore(%dma_wait3A_157 : memref<!tpu.dma_semaphore, #tpu.memory_space<semaphore_mem>>) src(%dma_wait3A_155 : memref<100000x768xf32, #tpu.memory_space<hbm>>) dst(%dma_wait3A_150 : memref<32x768xf32, #tpu.memory_space<vmem>>)
      %add3A_158 = arith.constant 3 : i32
      %add3A_159 = arith.addi %add3A_144, %add3A_158 : i32
      %rem3A_160 = arith.constant 4 : i32
      %rem3A_161 = arith.remsi %add3A_159, %rem3A_160 : i32
      %lt3A_162 = arith.constant 16 : i32
      %lt3A_163 = arith.cmpi slt, %add3A_159, %lt3A_162 : i32
      %convert_element_type3A = arith.extui %lt3A_163 : i1 to i32
      %cond3A = arith.constant 0 : i32
      %cond3A_164 = arith.cmpi ne, %convert_element_type3A, %cond3A : i32
      scf.if %cond3A_164 {
        %ge3A = arith.constant 4 : i32
        %ge3A_211 = arith.cmpi sge, %add3A_159, %ge3A : i32
        %convert_element_type3A_212 = arith.extui %ge3A_211 : i1 to i32
        %cond3A_213 = arith.constant 0 : i32
        %cond3A_214 = arith.cmpi ne, %convert_element_type3A_212, %cond3A_213 : i32
        scf.if %cond3A_214 {
          %dma_wait3A_227 = arith.constant 0 : i32
          %dma_wait3A_228 = arith.constant 0 : i32
          %dma_wait3A_229 = tpu.memref_slice %arg6[%rem3A_161, %dma_wait3A_227, %dma_wait3A_228] : memref<4x32x768xf32, #tpu.memory_space<vmem>> -> memref<1x32x768xf32, #tpu.memory_space<vmem>>
          %dma_wait3A_230 = tpu.memref_squeeze %dma_wait3A_229 : memref<1x32x768xf32, #tpu.memory_space<vmem>> -> memref<32x768xf32, #tpu.memory_space<vmem>>
          %dma_wait3A_231 = arith.constant 0 : i32
          %dma_wait3A_232 = tpu.memref_slice %arg4[%mul3A_2, %dma_wait3A_231] : memref<16384x768xf32, #tpu.memory_space<hbm>> -> memref<32x768xf32, #tpu.memory_space<hbm>>
          %dma_wait3A_233 = tpu.memref_slice %arg8[%rem3A_161] : memref<4x!tpu.dma_semaphore, #tpu.memory_space<semaphore_mem>> -> memref<1x!tpu.dma_semaphore, #tpu.memory_space<semaphore_mem>>
          %dma_wait3A_234 = tpu.memref_squeeze %dma_wait3A_233 : memref<1x!tpu.dma_semaphore, #tpu.memory_space<semaphore_mem>> -> memref<!tpu.dma_semaphore, #tpu.memory_space<semaphore_mem>>
          %dma_wait3A_235 = arith.constant 0 : i32
          %dma_wait3A_236 = tpu.memref_slice %arg4[%mul3A_2, %dma_wait3A_235] : memref<16384x768xf32, #tpu.memory_space<hbm>> -> memref<32x768xf32, #tpu.memory_space<hbm>>
          %dma_wait3A_237 = arith.constant 0 : i32
          %dma_wait3A_238 = arith.constant 0 : i32
          %dma_wait3A_239 = tpu.memref_slice %arg6[%rem3A_161, %dma_wait3A_237, %dma_wait3A_238] : memref<4x32x768xf32, #tpu.memory_space<vmem>> -> memref<1x32x768xf32, #tpu.memory_space<vmem>>
          %dma_wait3A_240 = tpu.memref_squeeze %dma_wait3A_239 : memref<1x32x768xf32, #tpu.memory_space<vmem>> -> memref<32x768xf32, #tpu.memory_space<vmem>>
          tpu.wait_dma2 semaphore(%dma_wait3A_234 : memref<!tpu.dma_semaphore, #tpu.memory_space<semaphore_mem>>) src(%dma_wait3A_240 : memref<32x768xf32, #tpu.memory_space<vmem>>) dst(%dma_wait3A_236 : memref<32x768xf32, #tpu.memory_space<hbm>>)
        } else {
        }
        %mul3A_215 = arith.constant 32 : i32
        %mul3A_216 = arith.muli %add3A_159, %mul3A_215 : i32
        %dma_start3A_217 = arith.constant 0 : i32
        %dma_start3A_218 = arith.constant 0 : i32
        %dma_start3A_219 = tpu.memref_slice %arg6[%rem3A_161, %dma_start3A_217, %dma_start3A_218] : memref<4x32x768xf32, #tpu.memory_space<vmem>> -> memref<1x32x768xf32, #tpu.memory_space<vmem>>
        %dma_start3A_220 = tpu.memref_squeeze %dma_start3A_219 : memref<1x32x768xf32, #tpu.memory_space<vmem>> -> memref<32x768xf32, #tpu.memory_space<vmem>>
        %dma_start3A_221 = tpu.memref_slice %arg5[%mul3A_216] : memref<512xi32, #tpu.memory_space<vmem>> -> memref<32xi32, #tpu.memory_space<vmem>>
        %dma_start3A_222 = arith.constant 0 : i32
        %dma_start3A_223 = arith.constant 0 : i32
        %dma_start3A_224 = tpu.memref_slice %arg3[%dma_start3A_222, %dma_start3A_223] : memref<100000x768xf32, #tpu.memory_space<hbm>> -> memref<100000x768xf32, #tpu.memory_space<hbm>>
        %dma_start3A_225 = tpu.memref_slice %arg7[%rem3A_161] : memref<4x!tpu.dma_semaphore, #tpu.memory_space<semaphore_mem>> -> memref<1x!tpu.dma_semaphore, #tpu.memory_space<semaphore_mem>>
        %dma_start3A_226 = tpu.memref_squeeze %dma_start3A_225 : memref<1x!tpu.dma_semaphore, #tpu.memory_space<semaphore_mem>> -> memref<!tpu.dma_semaphore, #tpu.memory_space<semaphore_mem>>
        tpu.enqueue_indirect_dma source(%dma_start3A_224 : memref<100000x768xf32, #tpu.memory_space<hbm>>) target(%dma_start3A_220 : memref<32x768xf32, #tpu.memory_space<vmem>>) offsets(%dma_start3A_221 : memref<32xi32, #tpu.memory_space<vmem>>) semaphore(%dma_start3A_226 : memref<!tpu.dma_semaphore, #tpu.memory_space<semaphore_mem>>)
      } else {
      }
      %scan3A_165 = arith.constant 0 : i32
      %scan3A_166 = arith.constant 16 : i32
      %scan3A_167 = arith.addi %scan3A_165, %scan3A_166 : i32
      %scan3A_168 = arith.constant 1 : i32
      scf.for %scan3A_211 = %scan3A_165 to %scan3A_167 step %scan3A_168  : i32 {
        %mul3A_212 = arith.constant 1 : i32
        %mul3A_213 = arith.muli %scan3A_211, %mul3A_212 : i32
        %add3A_214 = arith.constant 0 : i32
        %add3A_215 = arith.addi %add3A_214, %mul3A_213 : i32
        %scan3A_216 = arith.constant 0 : i32
        %scan3A_217 = arith.constant 48 : i32
        %scan3A_218 = arith.addi %scan3A_216, %scan3A_217 : i32
        %scan3A_219 = arith.constant 8 : i32
        scf.for %scan3A_221 = %scan3A_216 to %scan3A_218 step %scan3A_219  : i32 {
          %mul3A_222 = arith.constant 1 : i32
          %mul3A_223 = arith.muli %scan3A_221, %mul3A_222 : i32
          %add3A_224 = arith.constant 0 : i32
          %add3A_225 = arith.addi %add3A_224, %mul3A_223 : i32
          %mul3A_226 = arith.constant 16 : i32
          %mul3A_227 = arith.muli %add3A_225, %mul3A_226 : i32
          %get3A = arith.index_cast %rem3A_146 : i32 to index
          %get3A_228 = arith.index_cast %add3A_215 : i32 to index
          %get3A_229 = arith.index_cast %mul3A_227 : i32 to index
          %get3A_230 = tpu.vector_load %arg6[%get3A, %get3A_228, %get3A_229] {strides = array<i32>} : memref<4x32x768xf32, #tpu.memory_space<vmem>>, vector<1x1x16xf32>,
          %get3A_231 = vector.shape_cast %get3A_230 : vector<1x1x16xf32> to vector<16xf32>
          %mul3A_232 = arith.constant 27.7128124 : f32
          %mul3A_233 = vector.broadcast %mul3A_232 : f32 to vector<16xf32>
          %mul3A_234 = arith.mulf %get3A_231, %mul3A_233 : vector<16xf32>
          %swap3A = arith.index_cast %rem3A_146 : i32 to index
          %swap3A_235 = arith.index_cast %add3A_215 : i32 to index
          %swap3A_236 = arith.index_cast %mul3A_227 : i32 to index
          %swap3A_237 = tpu.vector_load %arg6[%swap3A, %swap3A_235, %swap3A_236] {strides = array<i32>} : memref<4x32x768xf32, #tpu.memory_space<vmem>>, vector<1x1x16xf32>,
          %swap3A_238 = vector.shape_cast %swap3A_237 : vector<1x1x16xf32> to vector<16xf32>
          %swap3A_239 = vector.shape_cast %mul3A_234 : vector<16xf32> to vector<1x1x16xf32>
          tpu.vector_store %arg6[%swap3A, %swap3A_235, %swap3A_236], %swap3A_239 {strides = array<i32>} : memref<4x32x768xf32, #tpu.memory_space<vmem>>, vector<1x1x16xf32>,
          %scan3A_240 = arith.constant 1 : i32
          %scan3A_241 = arith.addi %scan3A_221, %scan3A_240 : i32
          %mul3A_242 = arith.constant 1 : i32
          %mul3A_243 = arith.muli %scan3A_241, %mul3A_242 : i32
          %add3A_244 = arith.constant 0 : i32
          %add3A_245 = arith.addi %add3A_244, %mul3A_243 : i32
          %mul3A_246 = arith.constant 16 : i32
          %mul3A_247 = arith.muli %add3A_245, %mul3A_246 : i32
          %get3A_248 = arith.index_cast %rem3A_146 : i32 to index
          %get3A_249 = arith.index_cast %add3A_215 : i32 to index
          %get3A_250 = arith.index_cast %mul3A_247 : i32 to index
          %get3A_251 = tpu.vector_load %arg6[%get3A_248, %get3A_249, %get3A_250] {strides = array<i32>} : memref<4x32x768xf32, #tpu.memory_space<vmem>>, vector<1x1x16xf32>,
          %get3A_252 = vector.shape_cast %get3A_251 : vector<1x1x16xf32> to vector<16xf32>
          %mul3A_253 = arith.constant 27.7128124 : f32
          %mul3A_254 = vector.broadcast %mul3A_253 : f32 to vector<16xf32>
          %mul3A_255 = arith.mulf %get3A_252, %mul3A_254 : vector<16xf32>
          %swap3A_256 = arith.index_cast %rem3A_146 : i32 to index
          %swap3A_257 = arith.index_cast %add3A_215 : i32 to index
          %swap3A_258 = arith.index_cast %mul3A_247 : i32 to index
          %swap3A_259 = tpu.vector_load %arg6[%swap3A_256, %swap3A_257, %swap3A_258] {strides = array<i32>} : memref<4x32x768xf32, #tpu.memory_space<vmem>>, vector<1x1x16xf32>,
          %swap3A_260 = vector.shape_cast %swap3A_259 : vector<1x1x16xf32> to vector<16xf32>
          %swap3A_261 = vector.shape_cast %mul3A_255 : vector<16xf32> to vector<1x1x16xf32>
          tpu.vector_store %arg6[%swap3A_256, %swap3A_257, %swap3A_258], %swap3A_261 {strides = array<i32>} : memref<4x32x768xf32, #tpu.memory_space<vmem>>, vector<1x1x16xf32>,
          %scan3A_262 = arith.constant 2 : i32
          %scan3A_263 = arith.addi %scan3A_221, %scan3A_262 : i32
          %mul3A_264 = arith.constant 1 : i32
          %mul3A_265 = arith.muli %scan3A_263, %mul3A_264 : i32
          %add3A_266 = arith.constant 0 : i32
          %add3A_267 = arith.addi %add3A_266, %mul3A_265 : i32
          %mul3A_268 = arith.constant 16 : i32
          %mul3A_269 = arith.muli %add3A_267, %mul3A_268 : i32
          %get3A_270 = arith.index_cast %rem3A_146 : i32 to index
          %get3A_271 = arith.index_cast %add3A_215 : i32 to index
          %get3A_272 = arith.index_cast %mul3A_269 : i32 to index
          %get3A_273 = tpu.vector_load %arg6[%get3A_270, %get3A_271, %get3A_272] {strides = array<i32>} : memref<4x32x768xf32, #tpu.memory_space<vmem>>, vector<1x1x16xf32>,
          %get3A_274 = vector.shape_cast %get3A_273 : vector<1x1x16xf32> to vector<16xf32>
          %mul3A_275 = arith.constant 27.7128124 : f32
          %mul3A_276 = vector.broadcast %mul3A_275 : f32 to vector<16xf32>
          %mul3A_277 = arith.mulf %get3A_274, %mul3A_276 : vector<16xf32>
          %swap3A_278 = arith.index_cast %rem3A_146 : i32 to index
          %swap3A_279 = arith.index_cast %add3A_215 : i32 to index
          %swap3A_280 = arith.index_cast %mul3A_269 : i32 to index
          %swap3A_281 = tpu.vector_load %arg6[%swap3A_278, %swap3A_279, %swap3A_280] {strides = array<i32>} : memref<4x32x768xf32, #tpu.memory_space<vmem>>, vector<1x1x16xf32>,
          %swap3A_282 = vector.shape_cast %swap3A_281 : vector<1x1x16xf32> to vector<16xf32>
          %swap3A_283 = vector.shape_cast %mul3A_277 : vector<16xf32> to vector<1x1x16xf32>
          tpu.vector_store %arg6[%swap3A_278, %swap3A_279, %swap3A_280], %swap3A_283 {strides = array<i32>} : memref<4x32x768xf32, #tpu.memory_space<vmem>>, vector<1x1x16xf32>,
          %scan3A_284 = arith.constant 3 : i32
          %scan3A_285 = arith.addi %scan3A_221, %scan3A_284 : i32
          %mul3A_286 = arith.constant 1 : i32
          %mul3A_287 = arith.muli %scan3A_285, %mul3A_286 : i32
          %add3A_288 = arith.constant 0 : i32
          %add3A_289 = arith.addi %add3A_288, %mul3A_287 : i32
          %mul3A_290 = arith.constant 16 : i32
          %mul3A_291 = arith.muli %add3A_289, %mul3A_290 : i32
          %get3A_292 = arith.index_cast %rem3A_146 : i32 to index
          %get3A_293 = arith.index_cast %add3A_215 : i32 to index
          %get3A_294 = arith.index_cast %mul3A_291 : i32 to index
          %get3A_295 = tpu.vector_load %arg6[%get3A_292, %get3A_293, %get3A_294] {strides = array<i32>} : memref<4x32x768xf32, #tpu.memory_space<vmem>>, vector<1x1x16xf32>,
          %get3A_296 = vector.shape_cast %get3A_295 : vector<1x1x16xf32> to vector<16xf32>
          %mul3A_297 = arith.constant 27.7128124 : f32
          %mul3A_298 = vector.broadcast %mul3A_297 : f32 to vector<16xf32>
          %mul3A_299 = arith.mulf %get3A_296, %mul3A_298 : vector<16xf32>
          %swap3A_300 = arith.index_cast %rem3A_146 : i32 to index
          %swap3A_301 = arith.index_cast %add3A_215 : i32 to index
          %swap3A_302 = arith.index_cast %mul3A_291 : i32 to index
          %swap3A_303 = tpu.vector_load %arg6[%swap3A_300, %swap3A_301, %swap3A_302] {strides = array<i32>} : memref<4x32x768xf32, #tpu.memory_space<vmem>>, vector<1x1x16xf32>,
          %swap3A_304 = vector.shape_cast %swap3A_303 : vector<1x1x16xf32> to vector<16xf32>
          %swap3A_305 = vector.shape_cast %mul3A_299 : vector<16xf32> to vector<1x1x16xf32>
          tpu.vector_store %arg6[%swap3A_300, %swap3A_301, %swap3A_302], %swap3A_305 {strides = array<i32>} : memref<4x32x768xf32, #tpu.memory_space<vmem>>, vector<1x1x16xf32>,
          %scan3A_306 = arith.constant 4 : i32
          %scan3A_307 = arith.addi %scan3A_221, %scan3A_306 : i32
          %mul3A_308 = arith.constant 1 : i32
          %mul3A_309 = arith.muli %scan3A_307, %mul3A_308 : i32
          %add3A_310 = arith.constant 0 : i32
          %add3A_311 = arith.addi %add3A_310, %mul3A_309 : i32
          %mul3A_312 = arith.constant 16 : i32
          %mul3A_313 = arith.muli %add3A_311, %mul3A_312 : i32
          %get3A_314 = arith.index_cast %rem3A_146 : i32 to index
          %get3A_315 = arith.index_cast %add3A_215 : i32 to index
          %get3A_316 = arith.index_cast %mul3A_313 : i32 to index
          %get3A_317 = tpu.vector_load %arg6[%get3A_314, %get3A_315, %get3A_316] {strides = array<i32>} : memref<4x32x768xf32, #tpu.memory_space<vmem>>, vector<1x1x16xf32>,
          %get3A_318 = vector.shape_cast %get3A_317 : vector<1x1x16xf32> to vector<16xf32>
          %mul3A_319 = arith.constant 27.7128124 : f32
          %mul3A_320 = vector.broadcast %mul3A_319 : f32 to vector<16xf32>
          %mul3A_321 = arith.mulf %get3A_318, %mul3A_320 : vector<16xf32>
          %swap3A_322 = arith.index_cast %rem3A_146 : i32 to index
          %swap3A_323 = arith.index_cast %add3A_215 : i32 to index
          %swap3A_324 = arith.index_cast %mul3A_313 : i32 to index
          %swap3A_325 = tpu.vector_load %arg6[%swap3A_322, %swap3A_323, %swap3A_324] {strides = array<i32>} : memref<4x32x768xf32, #tpu.memory_space<vmem>>, vector<1x1x16xf32>,
          %swap3A_326 = vector.shape_cast %swap3A_325 : vector<1x1x16xf32> to vector<16xf32>
          %swap3A_327 = vector.shape_cast %mul3A_321 : vector<16xf32> to vector<1x1x16xf32>
          tpu.vector_store %arg6[%swap3A_322, %swap3A_323, %swap3A_324], %swap3A_327 {strides = array<i32>} : memref<4x32x768xf32, #tpu.memory_space<vmem>>, vector<1x1x16xf32>,
          %scan3A_328 = arith.constant 5 : i32
          %scan3A_329 = arith.addi %scan3A_221, %scan3A_328 : i32
          %mul3A_330 = arith.constant 1 : i32
          %mul3A_331 = arith.muli %scan3A_329, %mul3A_330 : i32
          %add3A_332 = arith.constant 0 : i32
          %add3A_333 = arith.addi %add3A_332, %mul3A_331 : i32
          %mul3A_334 = arith.constant 16 : i32
          %mul3A_335 = arith.muli %add3A_333, %mul3A_334 : i32
          %get3A_336 = arith.index_cast %rem3A_146 : i32 to index
          %get3A_337 = arith.index_cast %add3A_215 : i32 to index
          %get3A_338 = arith.index_cast %mul3A_335 : i32 to index
          %get3A_339 = tpu.vector_load %arg6[%get3A_336, %get3A_337, %get3A_338] {strides = array<i32>} : memref<4x32x768xf32, #tpu.memory_space<vmem>>, vector<1x1x16xf32>,
          %get3A_340 = vector.shape_cast %get3A_339 : vector<1x1x16xf32> to vector<16xf32>
          %mul3A_341 = arith.constant 27.7128124 : f32
          %mul3A_342 = vector.broadcast %mul3A_341 : f32 to vector<16xf32>
          %mul3A_343 = arith.mulf %get3A_340, %mul3A_342 : vector<16xf32>
          %swap3A_344 = arith.index_cast %rem3A_146 : i32 to index
          %swap3A_345 = arith.index_cast %add3A_215 : i32 to index
          %swap3A_346 = arith.index_cast %mul3A_335 : i32 to index
          %swap3A_347 = tpu.vector_load %arg6[%swap3A_344, %swap3A_345, %swap3A_346] {strides = array<i32>} : memref<4x32x768xf32, #tpu.memory_space<vmem>>, vector<1x1x16xf32>,
          %swap3A_348 = vector.shape_cast %swap3A_347 : vector<1x1x16xf32> to vector<16xf32>
          %swap3A_349 = vector.shape_cast %mul3A_343 : vector<16xf32> to vector<1x1x16xf32>
          tpu.vector_store %arg6[%swap3A_344, %swap3A_345, %swap3A_346], %swap3A_349 {strides = array<i32>} : memref<4x32x768xf32, #tpu.memory_space<vmem>>, vector<1x1x16xf32>,
          %scan3A_350 = arith.constant 6 : i32
          %scan3A_351 = arith.addi %scan3A_221, %scan3A_350 : i32
          %mul3A_352 = arith.constant 1 : i32
          %mul3A_353 = arith.muli %scan3A_351, %mul3A_352 : i32
          %add3A_354 = arith.constant 0 : i32
          %add3A_355 = arith.addi %add3A_354, %mul3A_353 : i32
          %mul3A_356 = arith.constant 16 : i32
          %mul3A_357 = arith.muli %add3A_355, %mul3A_356 : i32
          %get3A_358 = arith.index_cast %rem3A_146 : i32 to index
          %get3A_359 = arith.index_cast %add3A_215 : i32 to index
          %get3A_360 = arith.index_cast %mul3A_357 : i32 to index
          %get3A_361 = tpu.vector_load %arg6[%get3A_358, %get3A_359, %get3A_360] {strides = array<i32>} : memref<4x32x768xf32, #tpu.memory_space<vmem>>, vector<1x1x16xf32>,
          %get3A_362 = vector.shape_cast %get3A_361 : vector<1x1x16xf32> to vector<16xf32>
          %mul3A_363 = arith.constant 27.7128124 : f32
          %mul3A_364 = vector.broadcast %mul3A_363 : f32 to vector<16xf32>
          %mul3A_365 = arith.mulf %get3A_362, %mul3A_364 : vector<16xf32>
          %swap3A_366 = arith.index_cast %rem3A_146 : i32 to index
          %swap3A_367 = arith.index_cast %add3A_215 : i32 to index
          %swap3A_368 = arith.index_cast %mul3A_357 : i32 to index
          %swap3A_369 = tpu.vector_load %arg6[%swap3A_366, %swap3A_367, %swap3A_368] {strides = array<i32>} : memref<4x32x768xf32, #tpu.memory_space<vmem>>, vector<1x1x16xf32>,
          %swap3A_370 = vector.shape_cast %swap3A_369 : vector<1x1x16xf32> to vector<16xf32>
          %swap3A_371 = vector.shape_cast %mul3A_365 : vector<16xf32> to vector<1x1x16xf32>
          tpu.vector_store %arg6[%swap3A_366, %swap3A_367, %swap3A_368], %swap3A_371 {strides = array<i32>} : memref<4x32x768xf32, #tpu.memory_space<vmem>>, vector<1x1x16xf32>,
          %scan3A_372 = arith.constant 7 : i32
          %scan3A_373 = arith.addi %scan3A_221, %scan3A_372 : i32
          %mul3A_374 = arith.constant 1 : i32
          %mul3A_375 = arith.muli %scan3A_373, %mul3A_374 : i32
          %add3A_376 = arith.constant 0 : i32
          %add3A_377 = arith.addi %add3A_376, %mul3A_375 : i32
          %mul3A_378 = arith.constant 16 : i32
          %mul3A_379 = arith.muli %add3A_377, %mul3A_378 : i32
          %get3A_380 = arith.index_cast %rem3A_146 : i32 to index
          %get3A_381 = arith.index_cast %add3A_215 : i32 to index
          %get3A_382 = arith.index_cast %mul3A_379 : i32 to index
          %get3A_383 = tpu.vector_load %arg6[%get3A_380, %get3A_381, %get3A_382] {strides = array<i32>} : memref<4x32x768xf32, #tpu.memory_space<vmem>>, vector<1x1x16xf32>,
          %get3A_384 = vector.shape_cast %get3A_383 : vector<1x1x16xf32> to vector<16xf32>
          %mul3A_385 = arith.constant 27.7128124 : f32
          %mul3A_386 = vector.broadcast %mul3A_385 : f32 to vector<16xf32>
          %mul3A_387 = arith.mulf %get3A_384, %mul3A_386 : vector<16xf32>
          %swap3A_388 = arith.index_cast %rem3A_146 : i32 to index
          %swap3A_389 = arith.index_cast %add3A_215 : i32 to index
          %swap3A_390 = arith.index_cast %mul3A_379 : i32 to index
          %swap3A_391 = tpu.vector_load %arg6[%swap3A_388, %swap3A_389, %swap3A_390] {strides = array<i32>} : memref<4x32x768xf32, #tpu.memory_space<vmem>>, vector<1x1x16xf32>,
          %swap3A_392 = vector.shape_cast %swap3A_391 : vector<1x1x16xf32> to vector<16xf32>
          %swap3A_393 = vector.shape_cast %mul3A_387 : vector<16xf32> to vector<1x1x16xf32>
          tpu.vector_store %arg6[%swap3A_388, %swap3A_389, %swap3A_390], %swap3A_393 {strides = array<i32>} : memref<4x32x768xf32, #tpu.memory_space<vmem>>, vector<1x1x16xf32>,
        }
        %scan3A_220 = arith.constant 48 : i32
      }
      %scan3A_169 = arith.constant 16 : i32
      %mul3A_170 = arith.constant 32 : i32
      %mul3A_171 = arith.muli %add3A_144, %mul3A_170 : i32
      %add3A_172 = arith.addi %mul3A_2, %mul3A_171 : i32
      %dma_start3A_173 = arith.constant 0 : i32
      %dma_start3A_174 = arith.constant 0 : i32
      %dma_start3A_175 = tpu.memref_slice %arg6[%rem3A_146, %dma_start3A_173, %dma_start3A_174] : memref<4x32x768xf32, #tpu.memory_space<vmem>> -> memref<1x16x768xf32, #tpu.memory_space<vmem>>
      %dma_start3A_176 = tpu.memref_squeeze %dma_start3A_175 : memref<1x16x768xf32, #tpu.memory_space<vmem>> -> memref<16x768xf32, #tpu.memory_space<vmem>>
      %dma_start3A_177 = arith.constant 0 : i32
      %dma_start3A_178 = tpu.memref_slice %arg4[%add3A_172, %dma_start3A_177] : memref<16384x768xf32, #tpu.memory_space<hbm>> -> memref<16x768xf32, #tpu.memory_space<hbm>>
      %dma_start3A_179 = tpu.memref_slice %arg8[%rem3A_146] : memref<4x!tpu.dma_semaphore, #tpu.memory_space<semaphore_mem>> -> memref<1x!tpu.dma_semaphore, #tpu.memory_space<semaphore_mem>>
      %dma_start3A_180 = tpu.memref_squeeze %dma_start3A_179 : memref<1x!tpu.dma_semaphore, #tpu.memory_space<semaphore_mem>> -> memref<!tpu.dma_semaphore, #tpu.memory_space<semaphore_mem>>
      %dma_start3A_181 = arith.constant 0 : i32
      %dma_start3A_182 = tpu.memref_slice %arg4[%add3A_172, %dma_start3A_181] : memref<16384x768xf32, #tpu.memory_space<hbm>> -> memref<16x768xf32, #tpu.memory_space<hbm>>
      %dma_start3A_183 = arith.constant 0 : i32
      %dma_start3A_184 = arith.constant 0 : i32
      %dma_start3A_185 = tpu.memref_slice %arg6[%rem3A_146, %dma_start3A_183, %dma_start3A_184] : memref<4x32x768xf32, #tpu.memory_space<vmem>> -> memref<1x16x768xf32, #tpu.memory_space<vmem>>
      %dma_start3A_186 = tpu.memref_squeeze %dma_start3A_185 : memref<1x16x768xf32, #tpu.memory_space<vmem>> -> memref<16x768xf32, #tpu.memory_space<vmem>>
      tpu.enqueue_dma source(%dma_start3A_186 : memref<16x768xf32, #tpu.memory_space<vmem>>) target(%dma_start3A_182 : memref<16x768xf32, #tpu.memory_space<hbm>>) target_semaphore(%dma_start3A_180 : memref<!tpu.dma_semaphore, #tpu.memory_space<semaphore_mem>>)
      %scan3A_187 = arith.constant 0 : i32
      %scan3A_188 = arith.constant 16 : i32
      %scan3A_189 = arith.addi %scan3A_187, %scan3A_188 : i32
      %scan3A_190 = arith.constant 1 : i32
      scf.for %scan3A_211 = %scan3A_187 to %scan3A_189 step %scan3A_190  : i32 {
        %mul3A_212 = arith.constant 1 : i32
        %mul3A_213 = arith.muli %scan3A_211, %mul3A_212 : i32
        %add3A_214 = arith.constant 16 : i32
        %add3A_215 = arith.addi %add3A_214, %mul3A_213 : i32
        %scan3A_216 = arith.constant 0 : i32
        %scan3A_217 = arith.constant 48 : i32
        %scan3A_218 = arith.addi %scan3A_216, %scan3A_217 : i32
        %scan3A_219 = arith.constant 8 : i32
        scf.for %scan3A_221 = %scan3A_216 to %scan3A_218 step %scan3A_219  : i32 {
          %mul3A_222 = arith.constant 1 : i32
          %mul3A_223 = arith.muli %scan3A_221, %mul3A_222 : i32
          %add3A_224 = arith.constant 0 : i32
          %add3A_225 = arith.addi %add3A_224, %mul3A_223 : i32
          %mul3A_226 = arith.constant 16 : i32
          %mul3A_227 = arith.muli %add3A_225, %mul3A_226 : i32
          %get3A = arith.index_cast %rem3A_146 : i32 to index
          %get3A_228 = arith.index_cast %add3A_215 : i32 to index
          %get3A_229 = arith.index_cast %mul3A_227 : i32 to index
          %get3A_230 = tpu.vector_load %arg6[%get3A, %get3A_228, %get3A_229] {strides = array<i32>} : memref<4x32x768xf32, #tpu.memory_space<vmem>>, vector<1x1x16xf32>,
          %get3A_231 = vector.shape_cast %get3A_230 : vector<1x1x16xf32> to vector<16xf32>
          %mul3A_232 = arith.constant 27.7128124 : f32
          %mul3A_233 = vector.broadcast %mul3A_232 : f32 to vector<16xf32>
          %mul3A_234 = arith.mulf %get3A_231, %mul3A_233 : vector<16xf32>
          %swap3A = arith.index_cast %rem3A_146 : i32 to index
          %swap3A_235 = arith.index_cast %add3A_215 : i32 to index
          %swap3A_236 = arith.index_cast %mul3A_227 : i32 to index
          %swap3A_237 = tpu.vector_load %arg6[%swap3A, %swap3A_235, %swap3A_236] {strides = array<i32>} : memref<4x32x768xf32, #tpu.memory_space<vmem>>, vector<1x1x16xf32>,
          %swap3A_238 = vector.shape_cast %swap3A_237 : vector<1x1x16xf32> to vector<16xf32>
          %swap3A_239 = vector.shape_cast %mul3A_234 : vector<16xf32> to vector<1x1x16xf32>
          tpu.vector_store %arg6[%swap3A, %swap3A_235, %swap3A_236], %swap3A_239 {strides = array<i32>} : memref<4x32x768xf32, #tpu.memory_space<vmem>>, vector<1x1x16xf32>,
          %scan3A_240 = arith.constant 1 : i32
          %scan3A_241 = arith.addi %scan3A_221, %scan3A_240 : i32
          %mul3A_242 = arith.constant 1 : i32
          %mul3A_243 = arith.muli %scan3A_241, %mul3A_242 : i32
          %add3A_244 = arith.constant 0 : i32
          %add3A_245 = arith.addi %add3A_244, %mul3A_243 : i32
          %mul3A_246 = arith.constant 16 : i32
          %mul3A_247 = arith.muli %add3A_245, %mul3A_246 : i32
          %get3A_248 = arith.index_cast %rem3A_146 : i32 to index
          %get3A_249 = arith.index_cast %add3A_215 : i32 to index
          %get3A_250 = arith.index_cast %mul3A_247 : i32 to index
          %get3A_251 = tpu.vector_load %arg6[%get3A_248, %get3A_249, %get3A_250] {strides = array<i32>} : memref<4x32x768xf32, #tpu.memory_space<vmem>>, vector<1x1x16xf32>,
          %get3A_252 = vector.shape_cast %get3A_251 : vector<1x1x16xf32> to vector<16xf32>
          %mul3A_253 = arith.constant 27.7128124 : f32
          %mul3A_254 = vector.broadcast %mul3A_253 : f32 to vector<16xf32>
          %mul3A_255 = arith.mulf %get3A_252, %mul3A_254 : vector<16xf32>
          %swap3A_256 = arith.index_cast %rem3A_146 : i32 to index
          %swap3A_257 = arith.index_cast %add3A_215 : i32 to index
          %swap3A_258 = arith.index_cast %mul3A_247 : i32 to index
          %swap3A_259 = tpu.vector_load %arg6[%swap3A_256, %swap3A_257, %swap3A_258] {strides = array<i32>} : memref<4x32x768xf32, #tpu.memory_space<vmem>>, vector<1x1x16xf32>,
          %swap3A_260 = vector.shape_cast %swap3A_259 : vector<1x1x16xf32> to vector<16xf32>
          %swap3A_261 = vector.shape_cast %mul3A_255 : vector<16xf32> to vector<1x1x16xf32>
          tpu.vector_store %arg6[%swap3A_256, %swap3A_257, %swap3A_258], %swap3A_261 {strides = array<i32>} : memref<4x32x768xf32, #tpu.memory_space<vmem>>, vector<1x1x16xf32>,
          %scan3A_262 = arith.constant 2 : i32
          %scan3A_263 = arith.addi %scan3A_221, %scan3A_262 : i32
          %mul3A_264 = arith.constant 1 : i32
          %mul3A_265 = arith.muli %scan3A_263, %mul3A_264 : i32
          %add3A_266 = arith.constant 0 : i32
          %add3A_267 = arith.addi %add3A_266, %mul3A_265 : i32
          %mul3A_268 = arith.constant 16 : i32
          %mul3A_269 = arith.muli %add3A_267, %mul3A_268 : i32
          %get3A_270 = arith.index_cast %rem3A_146 : i32 to index
          %get3A_271 = arith.index_cast %add3A_215 : i32 to index
          %get3A_272 = arith.index_cast %mul3A_269 : i32 to index
          %get3A_273 = tpu.vector_load %arg6[%get3A_270, %get3A_271, %get3A_272] {strides = array<i32>} : memref<4x32x768xf32, #tpu.memory_space<vmem>>, vector<1x1x16xf32>,
          %get3A_274 = vector.shape_cast %get3A_273 : vector<1x1x16xf32> to vector<16xf32>
          %mul3A_275 = arith.constant 27.7128124 : f32
          %mul3A_276 = vector.broadcast %mul3A_275 : f32 to vector<16xf32>
          %mul3A_277 = arith.mulf %get3A_274, %mul3A_276 : vector<16xf32>
          %swap3A_278 = arith.index_cast %rem3A_146 : i32 to index
          %swap3A_279 = arith.index_cast %add3A_215 : i32 to index
          %swap3A_280 = arith.index_cast %mul3A_269 : i32 to index
          %swap3A_281 = tpu.vector_load %arg6[%swap3A_278, %swap3A_279, %swap3A_280] {strides = array<i32>} : memref<4x32x768xf32, #tpu.memory_space<vmem>>, vector<1x1x16xf32>,
          %swap3A_282 = vector.shape_cast %swap3A_281 : vector<1x1x16xf32> to vector<16xf32>
          %swap3A_283 = vector.shape_cast %mul3A_277 : vector<16xf32> to vector<1x1x16xf32>
          tpu.vector_store %arg6[%swap3A_278, %swap3A_279, %swap3A_280], %swap3A_283 {strides = array<i32>} : memref<4x32x768xf32, #tpu.memory_space<vmem>>, vector<1x1x16xf32>,
          %scan3A_284 = arith.constant 3 : i32
          %scan3A_285 = arith.addi %scan3A_221, %scan3A_284 : i32
          %mul3A_286 = arith.constant 1 : i32
          %mul3A_287 = arith.muli %scan3A_285, %mul3A_286 : i32
          %add3A_288 = arith.constant 0 : i32
          %add3A_289 = arith.addi %add3A_288, %mul3A_287 : i32
          %mul3A_290 = arith.constant 16 : i32
          %mul3A_291 = arith.muli %add3A_289, %mul3A_290 : i32
          %get3A_292 = arith.index_cast %rem3A_146 : i32 to index
          %get3A_293 = arith.index_cast %add3A_215 : i32 to index
          %get3A_294 = arith.index_cast %mul3A_291 : i32 to index
          %get3A_295 = tpu.vector_load %arg6[%get3A_292, %get3A_293, %get3A_294] {strides = array<i32>} : memref<4x32x768xf32, #tpu.memory_space<vmem>>, vector<1x1x16xf32>,
          %get3A_296 = vector.shape_cast %get3A_295 : vector<1x1x16xf32> to vector<16xf32>
          %mul3A_297 = arith.constant 27.7128124 : f32
          %mul3A_298 = vector.broadcast %mul3A_297 : f32 to vector<16xf32>
          %mul3A_299 = arith.mulf %get3A_296, %mul3A_298 : vector<16xf32>
          %swap3A_300 = arith.index_cast %rem3A_146 : i32 to index
          %swap3A_301 = arith.index_cast %add3A_215 : i32 to index
          %swap3A_302 = arith.index_cast %mul3A_291 : i32 to index
          %swap3A_303 = tpu.vector_load %arg6[%swap3A_300, %swap3A_301, %swap3A_302] {strides = array<i32>} : memref<4x32x768xf32, #tpu.memory_space<vmem>>, vector<1x1x16xf32>,
          %swap3A_304 = vector.shape_cast %swap3A_303 : vector<1x1x16xf32> to vector<16xf32>
          %swap3A_305 = vector.shape_cast %mul3A_299 : vector<16xf32> to vector<1x1x16xf32>
          tpu.vector_store %arg6[%swap3A_300, %swap3A_301, %swap3A_302], %swap3A_305 {strides = array<i32>} : memref<4x32x768xf32, #tpu.memory_space<vmem>>, vector<1x1x16xf32>,
          %scan3A_306 = arith.constant 4 : i32
          %scan3A_307 = arith.addi %scan3A_221, %scan3A_306 : i32
          %mul3A_308 = arith.constant 1 : i32
          %mul3A_309 = arith.muli %scan3A_307, %mul3A_308 : i32
          %add3A_310 = arith.constant 0 : i32
          %add3A_311 = arith.addi %add3A_310, %mul3A_309 : i32
          %mul3A_312 = arith.constant 16 : i32
          %mul3A_313 = arith.muli %add3A_311, %mul3A_312 : i32
          %get3A_314 = arith.index_cast %rem3A_146 : i32 to index
          %get3A_315 = arith.index_cast %add3A_215 : i32 to index
          %get3A_316 = arith.index_cast %mul3A_313 : i32 to index
          %get3A_317 = tpu.vector_load %arg6[%get3A_314, %get3A_315, %get3A_316] {strides = array<i32>} : memref<4x32x768xf32, #tpu.memory_space<vmem>>, vector<1x1x16xf32>,
          %get3A_318 = vector.shape_cast %get3A_317 : vector<1x1x16xf32> to vector<16xf32>
          %mul3A_319 = arith.constant 27.7128124 : f32
          %mul3A_320 = vector.broadcast %mul3A_319 : f32 to vector<16xf32>
          %mul3A_321 = arith.mulf %get3A_318, %mul3A_320 : vector<16xf32>
          %swap3A_322 = arith.index_cast %rem3A_146 : i32 to index
          %swap3A_323 = arith.index_cast %add3A_215 : i32 to index
          %swap3A_324 = arith.index_cast %mul3A_313 : i32 to index
          %swap3A_325 = tpu.vector_load %arg6[%swap3A_322, %swap3A_323, %swap3A_324] {strides = array<i32>} : memref<4x32x768xf32, #tpu.memory_space<vmem>>, vector<1x1x16xf32>,
          %swap3A_326 = vector.shape_cast %swap3A_325 : vector<1x1x16xf32> to vector<16xf32>
          %swap3A_327 = vector.shape_cast %mul3A_321 : vector<16xf32> to vector<1x1x16xf32>
          tpu.vector_store %arg6[%swap3A_322, %swap3A_323, %swap3A_324], %swap3A_327 {strides = array<i32>} : memref<4x32x768xf32, #tpu.memory_space<vmem>>, vector<1x1x16xf32>,
          %scan3A_328 = arith.constant 5 : i32
          %scan3A_329 = arith.addi %scan3A_221, %scan3A_328 : i32
          %mul3A_330 = arith.constant 1 : i32
          %mul3A_331 = arith.muli %scan3A_329, %mul3A_330 : i32
          %add3A_332 = arith.constant 0 : i32
          %add3A_333 = arith.addi %add3A_332, %mul3A_331 : i32
          %mul3A_334 = arith.constant 16 : i32
          %mul3A_335 = arith.muli %add3A_333, %mul3A_334 : i32
          %get3A_336 = arith.index_cast %rem3A_146 : i32 to index
          %get3A_337 = arith.index_cast %add3A_215 : i32 to index
          %get3A_338 = arith.index_cast %mul3A_335 : i32 to index
          %get3A_339 = tpu.vector_load %arg6[%get3A_336, %get3A_337, %get3A_338] {strides = array<i32>} : memref<4x32x768xf32, #tpu.memory_space<vmem>>, vector<1x1x16xf32>,
          %get3A_340 = vector.shape_cast %get3A_339 : vector<1x1x16xf32> to vector<16xf32>
          %mul3A_341 = arith.constant 27.7128124 : f32
          %mul3A_342 = vector.broadcast %mul3A_341 : f32 to vector<16xf32>
          %mul3A_343 = arith.mulf %get3A_340, %mul3A_342 : vector<16xf32>
          %swap3A_344 = arith.index_cast %rem3A_146 : i32 to index
          %swap3A_345 = arith.index_cast %add3A_215 : i32 to index
          %swap3A_346 = arith.index_cast %mul3A_335 : i32 to index
          %swap3A_347 = tpu.vector_load %arg6[%swap3A_344, %swap3A_345, %swap3A_346] {strides = array<i32>} : memref<4x32x768xf32, #tpu.memory_space<vmem>>, vector<1x1x16xf32>,
          %swap3A_348 = vector.shape_cast %swap3A_347 : vector<1x1x16xf32> to vector<16xf32>
          %swap3A_349 = vector.shape_cast %mul3A_343 : vector<16xf32> to vector<1x1x16xf32>
          tpu.vector_store %arg6[%swap3A_344, %swap3A_345, %swap3A_346], %swap3A_349 {strides = array<i32>} : memref<4x32x768xf32, #tpu.memory_space<vmem>>, vector<1x1x16xf32>,
          %scan3A_350 = arith.constant 6 : i32
          %scan3A_351 = arith.addi %scan3A_221, %scan3A_350 : i32
          %mul3A_352 = arith.constant 1 : i32
          %mul3A_353 = arith.muli %scan3A_351, %mul3A_352 : i32
          %add3A_354 = arith.constant 0 : i32
          %add3A_355 = arith.addi %add3A_354, %mul3A_353 : i32
          %mul3A_356 = arith.constant 16 : i32
          %mul3A_357 = arith.muli %add3A_355, %mul3A_356 : i32
          %get3A_358 = arith.index_cast %rem3A_146 : i32 to index
          %get3A_359 = arith.index_cast %add3A_215 : i32 to index
          %get3A_360 = arith.index_cast %mul3A_357 : i32 to index
          %get3A_361 = tpu.vector_load %arg6[%get3A_358, %get3A_359, %get3A_360] {strides = array<i32>} : memref<4x32x768xf32, #tpu.memory_space<vmem>>, vector<1x1x16xf32>,
          %get3A_362 = vector.shape_cast %get3A_361 : vector<1x1x16xf32> to vector<16xf32>
          %mul3A_363 = arith.constant 27.7128124 : f32
          %mul3A_364 = vector.broadcast %mul3A_363 : f32 to vector<16xf32>
          %mul3A_365 = arith.mulf %get3A_362, %mul3A_364 : vector<16xf32>
          %swap3A_366 = arith.index_cast %rem3A_146 : i32 to index
          %swap3A_367 = arith.index_cast %add3A_215 : i32 to index
          %swap3A_368 = arith.index_cast %mul3A_357 : i32 to index
          %swap3A_369 = tpu.vector_load %arg6[%swap3A_366, %swap3A_367, %swap3A_368] {strides = array<i32>} : memref<4x32x768xf32, #tpu.memory_space<vmem>>, vector<1x1x16xf32>,
          %swap3A_370 = vector.shape_cast %swap3A_369 : vector<1x1x16xf32> to vector<16xf32>
          %swap3A_371 = vector.shape_cast %mul3A_365 : vector<16xf32> to vector<1x1x16xf32>
          tpu.vector_store %arg6[%swap3A_366, %swap3A_367, %swap3A_368], %swap3A_371 {strides = array<i32>} : memref<4x32x768xf32, #tpu.memory_space<vmem>>, vector<1x1x16xf32>,
          %scan3A_372 = arith.constant 7 : i32
          %scan3A_373 = arith.addi %scan3A_221, %scan3A_372 : i32
          %mul3A_374 = arith.constant 1 : i32
          %mul3A_375 = arith.muli %scan3A_373, %mul3A_374 : i32
          %add3A_376 = arith.constant 0 : i32
          %add3A_377 = arith.addi %add3A_376, %mul3A_375 : i32
          %mul3A_378 = arith.constant 16 : i32
          %mul3A_379 = arith.muli %add3A_377, %mul3A_378 : i32
          %get3A_380 = arith.index_cast %rem3A_146 : i32 to index
          %get3A_381 = arith.index_cast %add3A_215 : i32 to index
          %get3A_382 = arith.index_cast %mul3A_379 : i32 to index
          %get3A_383 = tpu.vector_load %arg6[%get3A_380, %get3A_381, %get3A_382] {strides = array<i32>} : memref<4x32x768xf32, #tpu.memory_space<vmem>>, vector<1x1x16xf32>,
          %get3A_384 = vector.shape_cast %get3A_383 : vector<1x1x16xf32> to vector<16xf32>
          %mul3A_385 = arith.constant 27.7128124 : f32
          %mul3A_386 = vector.broadcast %mul3A_385 : f32 to vector<16xf32>
          %mul3A_387 = arith.mulf %get3A_384, %mul3A_386 : vector<16xf32>
          %swap3A_388 = arith.index_cast %rem3A_146 : i32 to index
          %swap3A_389 = arith.index_cast %add3A_215 : i32 to index
          %swap3A_390 = arith.index_cast %mul3A_379 : i32 to index
          %swap3A_391 = tpu.vector_load %arg6[%swap3A_388, %swap3A_389, %swap3A_390] {strides = array<i32>} : memref<4x32x768xf32, #tpu.memory_space<vmem>>, vector<1x1x16xf32>,
          %swap3A_392 = vector.shape_cast %swap3A_391 : vector<1x1x16xf32> to vector<16xf32>
          %swap3A_393 = vector.shape_cast %mul3A_387 : vector<16xf32> to vector<1x1x16xf32>
          tpu.vector_store %arg6[%swap3A_388, %swap3A_389, %swap3A_390], %swap3A_393 {strides = array<i32>} : memref<4x32x768xf32, #tpu.memory_space<vmem>>, vector<1x1x16xf32>,
        }
        %scan3A_220 = arith.constant 48 : i32
      }
      %scan3A_191 = arith.constant 16 : i32
      %mul3A_192 = arith.constant 32 : i32
      %mul3A_193 = arith.muli %add3A_144, %mul3A_192 : i32
      %add3A_194 = arith.addi %mul3A_2, %mul3A_193 : i32
      %add3A_195 = arith.constant 16 : i32
      %add3A_196 = arith.addi %add3A_194, %add3A_195 : i32
      %dma_start3A_197 = arith.constant 16 : i32
      %dma_start3A_198 = arith.constant 0 : i32
      %dma_start3A_199 = tpu.memref_slice %arg6[%rem3A_146, %dma_start3A_197, %dma_start3A_198] : memref<4x32x768xf32, #tpu.memory_space<vmem>> -> memref<1x16x768xf32, #tpu.memory_space<vmem>>
      %dma_start3A_200 = tpu.memref_squeeze %dma_start3A_199 : memref<1x16x768xf32, #tpu.memory_space<vmem>> -> memref<16x768xf32, #tpu.memory_space<vmem>>
      %dma_start3A_201 = arith.constant 0 : i32
      %dma_start3A_202 = tpu.memref_slice %arg4[%add3A_196, %dma_start3A_201] : memref<16384x768xf32, #tpu.memory_space<hbm>> -> memref<16x768xf32, #tpu.memory_space<hbm>>
      %dma_start3A_203 = tpu.memref_slice %arg8[%rem3A_146] : memref<4x!tpu.dma_semaphore, #tpu.memory_space<semaphore_mem>> -> memref<1x!tpu.dma_semaphore, #tpu.memory_space<semaphore_mem>>
      %dma_start3A_204 = tpu.memref_squeeze %dma_start3A_203 : memref<1x!tpu.dma_semaphore, #tpu.memory_space<semaphore_mem>> -> memref<!tpu.dma_semaphore, #tpu.memory_space<semaphore_mem>>
      %dma_start3A_205 = arith.constant 0 : i32
      %dma_start3A_206 = tpu.memref_slice %arg4[%add3A_196, %dma_start3A_205] : memref<16384x768xf32, #tpu.memory_space<hbm>> -> memref<16x768xf32, #tpu.memory_space<hbm>>
      %dma_start3A_207 = arith.constant 16 : i32
      %dma_start3A_208 = arith.constant 0 : i32
      %dma_start3A_209 = tpu.memref_slice %arg6[%rem3A_146, %dma_start3A_207, %dma_start3A_208] : memref<4x32x768xf32, #tpu.memory_space<vmem>> -> memref<1x16x768xf32, #tpu.memory_space<vmem>>
      %dma_start3A_210 = tpu.memref_squeeze %dma_start3A_209 : memref<1x16x768xf32, #tpu.memory_space<vmem>> -> memref<16x768xf32, #tpu.memory_space<vmem>>
      tpu.enqueue_dma source(%dma_start3A_210 : memref<16x768xf32, #tpu.memory_space<vmem>>) target(%dma_start3A_206 : memref<16x768xf32, #tpu.memory_space<hbm>>) target_semaphore(%dma_start3A_204 : memref<!tpu.dma_semaphore, #tpu.memory_space<semaphore_mem>>)
    }
    %scan3A_76 = arith.constant 16 : i32
    %dma_wait3A = arith.constant 0 : i32
    %dma_wait3A_77 = arith.constant 0 : i32
    %dma_wait3A_78 = arith.constant 0 : i32
    %dma_wait3A_79 = arith.constant 0 : i32
    %dma_wait3A_80 = tpu.memref_slice %arg6[%dma_wait3A, %dma_wait3A_78, %dma_wait3A_79] : memref<4x32x768xf32, #tpu.memory_space<vmem>> -> memref<1x32x768xf32, #tpu.memory_space<vmem>>
    %dma_wait3A_81 = tpu.memref_squeeze %dma_wait3A_80 : memref<1x32x768xf32, #tpu.memory_space<vmem>> -> memref<32x768xf32, #tpu.memory_space<vmem>>
    %dma_wait3A_82 = arith.constant 0 : i32
    %dma_wait3A_83 = tpu.memref_slice %arg4[%mul3A_2, %dma_wait3A_82] : memref<16384x768xf32, #tpu.memory_space<hbm>> -> memref<32x768xf32, #tpu.memory_space<hbm>>
    %dma_wait3A_84 = tpu.memref_slice %arg8[%dma_wait3A_77] : memref<4x!tpu.dma_semaphore, #tpu.memory_space<semaphore_mem>> -> memref<1x!tpu.dma_semaphore, #tpu.memory_space<semaphore_mem>>
    %dma_wait3A_85 = tpu.memref_squeeze %dma_wait3A_84 : memref<1x!tpu.dma_semaphore, #tpu.memory_space<semaphore_mem>> -> memref<!tpu.dma_semaphore, #tpu.memory_space<semaphore_mem>>
    %dma_wait3A_86 = arith.constant 0 : i32
    %dma_wait3A_87 = tpu.memref_slice %arg4[%mul3A_2, %dma_wait3A_86] : memref<16384x768xf32, #tpu.memory_space<hbm>> -> memref<32x768xf32, #tpu.memory_space<hbm>>
    %dma_wait3A_88 = arith.constant 0 : i32
    %dma_wait3A_89 = arith.constant 0 : i32
    %dma_wait3A_90 = tpu.memref_slice %arg6[%dma_wait3A, %dma_wait3A_88, %dma_wait3A_89] : memref<4x32x768xf32, #tpu.memory_space<vmem>> -> memref<1x32x768xf32, #tpu.memory_space<vmem>>
    %dma_wait3A_91 = tpu.memref_squeeze %dma_wait3A_90 : memref<1x32x768xf32, #tpu.memory_space<vmem>> -> memref<32x768xf32, #tpu.memory_space<vmem>>
    tpu.wait_dma2 semaphore(%dma_wait3A_85 : memref<!tpu.dma_semaphore, #tpu.memory_space<semaphore_mem>>) src(%dma_wait3A_91 : memref<32x768xf32, #tpu.memory_space<vmem>>) dst(%dma_wait3A_87 : memref<32x768xf32, #tpu.memory_space<hbm>>)
    %dma_wait3A_92 = arith.constant 1 : i32
    %dma_wait3A_93 = arith.constant 1 : i32
    %dma_wait3A_94 = arith.constant 0 : i32
    %dma_wait3A_95 = arith.constant 0 : i32
    %dma_wait3A_96 = tpu.memref_slice %arg6[%dma_wait3A_92, %dma_wait3A_94, %dma_wait3A_95] : memref<4x32x768xf32, #tpu.memory_space<vmem>> -> memref<1x32x768xf32, #tpu.memory_space<vmem>>
    %dma_wait3A_97 = tpu.memref_squeeze %dma_wait3A_96 : memref<1x32x768xf32, #tpu.memory_space<vmem>> -> memref<32x768xf32, #tpu.memory_space<vmem>>
    %dma_wait3A_98 = arith.constant 0 : i32
    %dma_wait3A_99 = tpu.memref_slice %arg4[%mul3A_2, %dma_wait3A_98] : memref<16384x768xf32, #tpu.memory_space<hbm>> -> memref<32x768xf32, #tpu.memory_space<hbm>>
    %dma_wait3A_100 = tpu.memref_slice %arg8[%dma_wait3A_93] : memref<4x!tpu.dma_semaphore, #tpu.memory_space<semaphore_mem>> -> memref<1x!tpu.dma_semaphore, #tpu.memory_space<semaphore_mem>>
    %dma_wait3A_101 = tpu.memref_squeeze %dma_wait3A_100 : memref<1x!tpu.dma_semaphore, #tpu.memory_space<semaphore_mem>> -> memref<!tpu.dma_semaphore, #tpu.memory_space<semaphore_mem>>
    %dma_wait3A_102 = arith.constant 0 : i32
    %dma_wait3A_103 = tpu.memref_slice %arg4[%mul3A_2, %dma_wait3A_102] : memref<16384x768xf32, #tpu.memory_space<hbm>> -> memref<32x768xf32, #tpu.memory_space<hbm>>
    %dma_wait3A_104 = arith.constant 0 : i32
    %dma_wait3A_105 = arith.constant 0 : i32
    %dma_wait3A_106 = tpu.memref_slice %arg6[%dma_wait3A_92, %dma_wait3A_104, %dma_wait3A_105] : memref<4x32x768xf32, #tpu.memory_space<vmem>> -> memref<1x32x768xf32, #tpu.memory_space<vmem>>
    %dma_wait3A_107 = tpu.memref_squeeze %dma_wait3A_106 : memref<1x32x768xf32, #tpu.memory_space<vmem>> -> memref<32x768xf32, #tpu.memory_space<vmem>>
    tpu.wait_dma2 semaphore(%dma_wait3A_101 : memref<!tpu.dma_semaphore, #tpu.memory_space<semaphore_mem>>) src(%dma_wait3A_107 : memref<32x768xf32, #tpu.memory_space<vmem>>) dst(%dma_wait3A_103 : memref<32x768xf32, #tpu.memory_space<hbm>>)
    %dma_wait3A_108 = arith.constant 2 : i32
    %dma_wait3A_109 = arith.constant 2 : i32
    %dma_wait3A_110 = arith.constant 0 : i32
    %dma_wait3A_111 = arith.constant 0 : i32
    %dma_wait3A_112 = tpu.memref_slice %arg6[%dma_wait3A_108, %dma_wait3A_110, %dma_wait3A_111] : memref<4x32x768xf32, #tpu.memory_space<vmem>> -> memref<1x32x768xf32, #tpu.memory_space<vmem>>
    %dma_wait3A_113 = tpu.memref_squeeze %dma_wait3A_112 : memref<1x32x768xf32, #tpu.memory_space<vmem>> -> memref<32x768xf32, #tpu.memory_space<vmem>>
    %dma_wait3A_114 = arith.constant 0 : i32
    %dma_wait3A_115 = tpu.memref_slice %arg4[%mul3A_2, %dma_wait3A_114] : memref<16384x768xf32, #tpu.memory_space<hbm>> -> memref<32x768xf32, #tpu.memory_space<hbm>>
    %dma_wait3A_116 = tpu.memref_slice %arg8[%dma_wait3A_109] : memref<4x!tpu.dma_semaphore, #tpu.memory_space<semaphore_mem>> -> memref<1x!tpu.dma_semaphore, #tpu.memory_space<semaphore_mem>>
    %dma_wait3A_117 = tpu.memref_squeeze %dma_wait3A_116 : memref<1x!tpu.dma_semaphore, #tpu.memory_space<semaphore_mem>> -> memref<!tpu.dma_semaphore, #tpu.memory_space<semaphore_mem>>
    %dma_wait3A_118 = arith.constant 0 : i32
    %dma_wait3A_119 = tpu.memref_slice %arg4[%mul3A_2, %dma_wait3A_118] : memref<16384x768xf32, #tpu.memory_space<hbm>> -> memref<32x768xf32, #tpu.memory_space<hbm>>
    %dma_wait3A_120 = arith.constant 0 : i32
    %dma_wait3A_121 = arith.constant 0 : i32
    %dma_wait3A_122 = tpu.memref_slice %arg6[%dma_wait3A_108, %dma_wait3A_120, %dma_wait3A_121] : memref<4x32x768xf32, #tpu.memory_space<vmem>> -> memref<1x32x768xf32, #tpu.memory_space<vmem>>
    %dma_wait3A_123 = tpu.memref_squeeze %dma_wait3A_122 : memref<1x32x768xf32, #tpu.memory_space<vmem>> -> memref<32x768xf32, #tpu.memory_space<vmem>>
    tpu.wait_dma2 semaphore(%dma_wait3A_117 : memref<!tpu.dma_semaphore, #tpu.memory_space<semaphore_mem>>) src(%dma_wait3A_123 : memref<32x768xf32, #tpu.memory_space<vmem>>) dst(%dma_wait3A_119 : memref<32x768xf32, #tpu.memory_space<hbm>>)
    %dma_wait3A_124 = arith.constant 3 : i32
    %dma_wait3A_125 = arith.constant 3 : i32
    %dma_wait3A_126 = arith.constant 0 : i32
    %dma_wait3A_127 = arith.constant 0 : i32
    %dma_wait3A_128 = tpu.memref_slice %arg6[%dma_wait3A_124, %dma_wait3A_126, %dma_wait3A_127] : memref<4x32x768xf32, #tpu.memory_space<vmem>> -> memref<1x32x768xf32, #tpu.memory_space<vmem>>
    %dma_wait3A_129 = tpu.memref_squeeze %dma_wait3A_128 : memref<1x32x768xf32, #tpu.memory_space<vmem>> -> memref<32x768xf32, #tpu.memory_space<vmem>>
    %dma_wait3A_130 = arith.constant 0 : i32
    %dma_wait3A_131 = tpu.memref_slice %arg4[%mul3A_2, %dma_wait3A_130] : memref<16384x768xf32, #tpu.memory_space<hbm>> -> memref<32x768xf32, #tpu.memory_space<hbm>>
    %dma_wait3A_132 = tpu.memref_slice %arg8[%dma_wait3A_125] : memref<4x!tpu.dma_semaphore, #tpu.memory_space<semaphore_mem>> -> memref<1x!tpu.dma_semaphore, #tpu.memory_space<semaphore_mem>>
    %dma_wait3A_133 = tpu.memref_squeeze %dma_wait3A_132 : memref<1x!tpu.dma_semaphore, #tpu.memory_space<semaphore_mem>> -> memref<!tpu.dma_semaphore, #tpu.memory_space<semaphore_mem>>
    %dma_wait3A_134 = arith.constant 0 : i32
    %dma_wait3A_135 = tpu.memref_slice %arg4[%mul3A_2, %dma_wait3A_134] : memref<16384x768xf32, #tpu.memory_space<hbm>> -> memref<32x768xf32, #tpu.memory_space<hbm>>
    %dma_wait3A_136 = arith.constant 0 : i32
    %dma_wait3A_137 = arith.constant 0 : i32
    %dma_wait3A_138 = tpu.memref_slice %arg6[%dma_wait3A_124, %dma_wait3A_136, %dma_wait3A_137] : memref<4x32x768xf32, #tpu.memory_space<vmem>> -> memref<1x32x768xf32, #tpu.memory_space<vmem>>
    %dma_wait3A_139 = tpu.memref_squeeze %dma_wait3A_138 : memref<1x32x768xf32, #tpu.memory_space<vmem>> -> memref<32x768xf32, #tpu.memory_space<vmem>>
    tpu.wait_dma2 semaphore(%dma_wait3A_133 : memref<!tpu.dma_semaphore, #tpu.memory_space<semaphore_mem>>) src(%dma_wait3A_139 : memref<32x768xf32, #tpu.memory_space<vmem>>) dst(%dma_wait3A_135 : memref<32x768xf32, #tpu.memory_space<hbm>>)
    return
  }
}

</mosaic_0001>

<sc_bundles>
// kernel: kernel.3.cloned.1.call-start
scs
__scs_entry_jumppad:
0x0: {  	(pc) =	sbr.rel $0x88, $3  }
0x1: {  	(tag) =	ssettag $0x0;
	lr =	simm.s32 $0x1  }
0x2: {  	[smem:$0x3F9F] =	sst lr;
	_ =	strace $0xD0000000  }
0x3: {  	_ = 	snop  }
0x4: {  	_ = 	snop  }
0x5: {  	_ = 	snop  }
0x6: {  	_ = 	snop  }
0x7: {  	_ = 	snop  }
__scs_overlays_trampoline_lowered:
0x8: {  	[smem:$0x3FAE] =	sst s0  }
0x9: {  	[smem:$0x3FAF] =	sst s1  }
0xa: {  	[smem:$0x3FB0] =	sst s2  }
0xb: {  	[smem:$0x3FB1] =	sst s3  }
0xc: {  	[smem:$0x3FB2] =	sst s4  }
0xd: {  	[smem:$0x3FB3] =	sst s5  }
0xe: {  	[smem:$0x3FB4] =	sst s6  }
0xf: {  	[smem:$0x3FB5] =	sst s7  }
0x10: {  	[smem:$0x3FB6] =	sst s8  }
0x11: {  	[smem:$0x3FB7] =	sst s9;
	s0 =	simm.s32 @!p0 $0x0  }
0x12: {  	s1 =	sld [smem:$0x3F9D];
	s0 =	simm.s32 @p0 $0x1  }
0x13: {  	[smem:$0x3FB8] =	sst s0;
	s0 =	simm.s32 @!p1 $0x0  }
0x14: {  	s2 =	sld [smem:$0x3F9C];
	s0 =	simm.s32 @p1 $0x1  }
0x15: {  	[smem:$0x3FB9] =	sst s0;
	s0 =	simm.s32 @!p2 $0x0  }
0x16: {  	s3 =	sld [smem:$0x3FDB];
	s0 =	simm.s32 @p2 $0x1  }
0x17: {  	s4 =	simm.s32 $0x1BF5;
	[smem:$0x3FBB] =	sst s0  }
0x18: {  	s0 =	sld [smem:$0x3F9E];
	_ =	swait.ge [sflag:s4], $0x0  }
0x19: {  	s7 =	sld [smem:$0x3F9F]  }
0x1a: {  	s8 =	sadd.s32 $0xFFFFE003, lr  }
0x1b: {  	s9 =	sadd.s32 $0xFFFFFEF7, lr;
	s5 =	simm.s32 $0xFFFFFFFF;
	p2 =	slt.u32 s8, $0xFFFFF086  }
0x1c: {  	p1 =	slt.u32 s9, $0xF7A;
	s5 =	simm.s32 @!p2 $0x0  }
0x1d: {  	s5 =	simm.s32 @p1 $0x1;
	p0 =	seq.s32 s7, s2  }
0x1e: {  	s7 =	smul.u32 @!p0 $0xF7A, s2;
	p2 =	seq.s32 @!p0 s5, $0x0  }
0x1f: {  	s9 =	smul.u32 $0xF7A, s1;
	s8 =	simm.s32 @!p0 $0x1BF5;
	p2 =	por !p2, p0  }
0x20: {  	[sflag:s8] =	ssyncset.s32 @!p0 $0xFFFFF086;
	s6 =	sadd.s32 @!p0 s3, s7;
	s7 =	simm.s32 @!p0 $0x108  }
0x21: {  	s3 =	sadd.s32 s3, s9;
	s6 =	sadd.s32 @!p0 $0x88, s6;
	s7 =	simm.s32 @p2 $0x1082  }
0x22: {  	[simem:s7], [sflag:s8] =	dma.local @!p0 [hbm:s6], $0xF7A  }
0x23: {  	s9 =	sor.u32 $0xD0000000, s2;
	s6 =	simm.s32 $0x108;
	_ =	swait.ge @!p0 [sflag:s8], $0x0  }
0x24: {  	s3 =	sadd.s32 $0x88, s3;
	s6 =	simm.s32 @!p1 $0x1082;
	[sflag:s4] =	ssyncset.s32 $0xFFFFF086  }
0x25: {  	[simem:s6], [sflag:s4] =	dma.local [hbm:s3], $0xF7A  }
0x26: {  	[smem:$0x3F9F] =	sst s1;
	(tag) =	ssettag s2;
	_ =	strace s9  }
0x27: {  	s1 =	sld [smem:$0x3FAF]  }
0x28: {  	s2 =	sld [smem:$0x3FB0]  }
0x29: {  	s4 =	sld [smem:$0x3FB2]  }
0x2a: {  	p0 =	seq.s32 s5, $0x0;
	s5 =	sld [smem:$0x3FB3]  }
0x2b: {  	s6 =	sld [smem:$0x3FB4]  }
0x2c: {  	s7 =	sld [smem:$0x3FB5]  }
0x2d: {  	s3 =	simm.s32 $0x108;
	s8 =	sld [smem:$0x3FB6]  }
0x2e: {  	s3 =	simm.s32 @!p0 $0x1082;
	s9 =	sld [smem:$0x3FB7]  }
0x2f: {  	lr =	sadd.s32 s0, s3;
	s0 =	sld [smem:$0x3FAE]  }
0x30: {  	s3 =	sld [smem:$0x3FB1]  }
0x31: {  	[smem:$0x3FBA] =	sst s10  }
0x32: {  	s10 =	sld [smem:$0x3FB8];
	_ =	sdelay $0x3  }
0x33: {  	p0 =	seq.s32 s10, $0x1;
	s10 =	sld [smem:$0x3FBA];
	_ =	sdelay $0x3  }
0x34: {  	[smem:$0x3FBA] =	sst s10  }
0x35: {  	s10 =	sld [smem:$0x3FB9];
	_ =	sdelay $0x3  }
0x36: {  	p1 =	seq.s32 s10, $0x1;
	s10 =	sld [smem:$0x3FBA];
	_ =	sdelay $0x3  }
0x37: {  	[smem:$0x3FBA] =	sst s10  }
0x38: {  	s10 =	sld [smem:$0x3FBB]  }
0x39: {  	_ = 	snop;
	(pc) =	sbr.ind lr, $3  }
0x3a: {  	_ = 	snop  }
0x3b: {  	_ = 	snop  }
0x3c: {  	p2 =	seq.s32 s10, $0x1;
	s10 =	sld [smem:$0x3FBA]  }
0x3d: {  	_ =	shalt  }
0x3e: {  	_ =	shalt  }
0x3f: {  	_ =	shalt  }
0x40: {  	_ =	shalt  }
0x41: {  	_ =	shalt  }
0x42: {  	_ =	shalt  }
0x43: {  	_ =	shalt  }
0x44: {  	_ =	shalt  }
0x45: {  	_ =	shalt  }
0x46: {  	_ =	shalt  }
0x47: {  	_ =	shalt  }
0x48: {  	_ =	shalt  }
0x49: {  	_ =	shalt  }
0x4a: {  	_ =	shalt  }
0x4b: {  	_ =	shalt  }
0x4c: {  	_ =	shalt  }
0x4d: {  	_ =	shalt  }
0x4e: {  	_ =	shalt  }
0x4f: {  	_ =	shalt  }
0x50: {  	_ =	shalt  }
0x51: {  	_ =	shalt  }
0x52: {  	_ =	shalt  }
0x53: {  	_ =	shalt  }
0x54: {  	_ =	shalt  }
0x55: {  	_ =	shalt  }
0x56: {  	_ =	shalt  }
0x57: {  	_ =	shalt  }
0x58: {  	_ =	shalt  }
0x59: {  	_ =	shalt  }
0x5a: {  	_ =	shalt  }
0x5b: {  	_ =	shalt  }
0x5c: {  	_ =	shalt  }
0x5d: {  	_ =	shalt  }
0x5e: {  	_ =	shalt  }
0x5f: {  	_ =	shalt  }
0x60: {  	_ =	shalt  }
0x61: {  	_ =	shalt  }
0x62: {  	_ =	shalt  }
0x63: {  	_ =	shalt  }
0x64: {  	_ =	shalt  }
0x65: {  	_ =	shalt  }
0x66: {  	_ =	shalt  }
0x67: {  	_ =	shalt  }
0x68: {  	_ =	shalt  }
0x69: {  	_ =	shalt  }
0x6a: {  	_ =	shalt  }
0x6b: {  	_ =	shalt  }
0x6c: {  	_ =	shalt  }
0x6d: {  	_ =	shalt  }
0x6e: {  	_ =	shalt  }
0x6f: {  	_ =	shalt  }
0x70: {  	_ =	shalt  }
0x71: {  	_ =	shalt  }
0x72: {  	_ =	shalt  }
0x73: {  	_ =	shalt  }
0x74: {  	_ =	shalt  }
0x75: {  	_ =	shalt  }
0x76: {  	_ =	shalt  }
0x77: {  	_ =	shalt  }
0x78: {  	_ =	shalt  }
0x79: {  	_ =	shalt  }
0x7a: {  	_ =	shalt  }
0x7b: {  	_ =	shalt  }
0x7c: {  	_ =	shalt  }
0x7d: {  	_ =	shalt  }
0x7e: {  	_ =	shalt  }
0x7f: {  	_ =	shalt  }
0x80: {  	_ =	shalt  }
0x81: {  	_ =	shalt  }
0x82: {  	_ =	shalt  }
0x83: {  	_ =	shalt  }
0x84: {  	_ =	shalt  }
0x85: {  	_ =	shalt  }
0x86: {  	_ =	shalt  }
0x87: {  	_ =	shalt  }
.Lfunc_end0:
.L_simem_size_0:
called_computation_lowered:
.L_overlay_start_0:
0x88: {  	s2 =	sld [smem:$0x3FD9]  }
0x89: {  	s3 =	sld [smem:$0x3FFE];
	_ =	sdelay $0x1  }
0x8a: {  	s1 =	srdreg.scid  }
0x8b: {  	s0 =	sand.u32 $0x1, s1  }
0x8c: {  	s18 =	sshll.u32 s0, $0xA;
	s2 =	sadd.s32 s3, s2  }
0x8d: {  	s2 =	sadd.s32 s2, s18  }
0x8e: {  	[smem:$0x3FC6] =	sst s2  }
0x8f: {  	_ = 	snop  }
0x90: {  	s2 =	sld [smem:$0x3FC9]  }
0x91: {  	s19 =	sld [smem:$0x3FC8]  }
0x92: {  	s4 =	sld [smem:$0x3FD0];
	(tm) =	ssettm $0x1  }
0x93: {  	s5 =	sld [smem:$0x3FFB];
	_ =	sdelay $0x3  }
0x94: {  	_ =	strace s5  }
0x95: {  	s5 =	sld [smem:$0x3FFC];
	_ =	sdelay $0x3  }
0x96: {  	_ =	strace s5  }
0x97: {  	s5 =	sld [smem:$0x3FFD];
	_ =	sdelay $0x3  }
0x98: {  	_ =	strace s5  }
0x99: {  	_ =	strace $0x8FFFFFFF  }
0x9a: {  	s20 =	sld [smem:$0x3FDB];
	_ =	sdelay $0x1  }
0x9b: {  	s6 =	simm.s32 $_scs_section_size  }
0x9c: {  	s7 =	simm.s32 $_size__tile_overlayer_lowered;
	s8 =	simm.s32 $_tile_overlayer_lowered  }
0x9d: {  	s23 =	simm.s32 $0x1BFF;
	s22 =	sshll.u32 s8, $0x1;
	s5 =	sadd.s32 s6, s20  }
0x9e: {  	s9 =	simm.s32 $0x0;
	s21 =	sshll.u32 s7, $0x1;
	s7 =	sadd.s32 s22, s5  }
0x9f: {  	[timem:s9], [sflag:s23] =	dma.local [hbm:s7], s21  }
0xa0: {  	_ =	swait.ge [sflag:s23], s21  }
0xa1: {  	s6 =	ssub.s32 $0x0, s21;
	[sflag:s23] =	ssyncset.done $0x0  }
0xa2: {  	[sflag:s23] =	ssyncadd.s32 s6;
	_ =	sdelay $0x1  }
0xa3: {  	s24 =	simm.s32 $0x1B8B  }
0xa4: {  	_ =	swait.ge [sflag:s24], $0x1  }
0xa5: {  	[sflag:s24] =	ssyncset.done $0x0  }
0xa6: {  	s25 =	simm.s32 $0x1B8E;
	[sflag:s24] =	ssyncadd.s32 $0xFFFFFFFF  }
0xa7: {  	s26 =	simm.s32 $execute0_lowered;
	[smem:$0x3FD2] =	sst s25  }
0xa8: {  	s6 =	sshll.u32 s26, $0x1;
	_ =	strace $0x80000046;
	[dreg:$0x1] =	wrdreg $0xFFFFFFFF  }
0xa9: {  	s28 =	simm.s32 $_size_execute0_lowered;
	s5 =	sadd.s32 s5, s6;
	[dreg:$0x0] =	wrdreg $0x0  }
0xaa: {  	s6 =	sshll.u32 s28, $0x1;
	[dreg:$0x2] =	wrdreg s5  }
0xab: {  	[dreg:$0x3] =	wrdreg s6  }
0xac: {  	[dreg:$0x4] =	wrdreg $0xC0  }
0xad: {  	_ =	task [dreg:s9], $0x5FFFF  }
0xae: {  	[dreg:$0x1] =	wrdreg $0xFFFFFFFF  }
0xaf: {  	[dreg:$0x0] =	wrdreg $0x60  }
0xb0: {  	[dreg:$0x2] =	wrdreg s2  }
0xb1: {  	[dreg:$0x3] =	wrdreg s19  }
0xb2: {  	[dreg:$0x4] =	wrdreg s4  }
0xb3: {  	[dreg:$0x5] =	wrdreg $0x9  }
0xb4: {  	_ =	task.clear_ibuf [dreg:s9], $0x6FFFF;
	_ =	strace $0x90000046  }
0xb5: {  	s29 =	simm.s32 $0x9;
	_ =	strace $0x80000048  }
0xb6: {  	_ =	swait.ge [sflag:s29], $0x1  }
0xb7: {  	[sflag:s29] =	ssyncadd.s32 $0xFFFFFFFF  }
0xb8: {  	_ =	strace $0x90000048  }
0xb9: {  	_ =	sfence  }
0xba: {  	s30 =	sld [smem:$0x0];
	_ =	sdelay $0x2  }
0xbb: {  	s31 =	sshll.u32 s1, $0xD;
	s1 =	sshrl.u32 s1, $0x2  }
0xbc: {  	s3 =	sand.u32 $0x4000, s31;
	s1 =	sadd.s32 s1, s30  }
0xbd: {  	s0 =	sor.u32 s3, s0;
	s1 =	sshll.u32 s1, $0x11  }
0xbe: {  	s0 =	sor.u32 s1, s0  }
0xbf: {  	s0 =	sadd.s32 $0x8F2B, s0  }
0xc0: {  	[sflag:s0] =	ssyncadd.remote.s32 $0x1  }
0xc1: {  	_ =	sfence.sel $0xFFFF  }
0xc2: {  	[dreg:$0x0] =	wrdreg $0xFFFFFFFF;
	(pc) =	sbr.abs _section_cstart, $3  }
0xc3: {  	[dreg:$0x1] =	wrdreg $0xFFFFFFFF  }
0xc4: {  	_ =	task.clear_ibuf [dreg:s9], $0x2FFFF;
	_ =	strace $0x9FFFFFFF  }
0xc5: {  	(tm) =	ssettm $0x7FFFFFFF  }
tec
execute0_lowered:
.L_overlay_start_1:
0x0: {  	(tag) =	ssettag $0x1  }
0x1: {  	s0 =	rddreg [dreg:$0x0]  }
0x2: {  	s1 =	rddreg [dreg:$0x1]  }
0x3: {  	s2 =	rddreg [dreg:$0x2];
	s4 =	simm.s32 $0x0  }
0x4: {  	s3 =	srdreg.scid;
	s7 =	stileid.u32;
	s11 =	simm.s32 $0x200  }
0x5: {  	s12 =	simm.s32 $0x9;
	s21 =	simm.s32 $0xF200;
	s22 =	simm.s32 $0xFA00  }
0x6: {  	s23 =	simm.s32 $0x10200;
	s28 =	simm.s32 $0x5;
	s29 =	simm.s32 $0x6  }
0x7: {  	s30 =	simm.s32 $0x7;
	s31 =	simm.s32 $0x8;
	[smem:$0x7FF] =	sst s4  }
0x8: {  	s3 =	sand.u32 $0x1, s3;
	s5 =	sshll.u32 s7, $0x1;
	s24 =	sshll.u32 s7, $0x2  }
0x9: {  	s7 =	sadd.s32 $0x100, s1;
	_ =	strace $0x80000047;
	s6 =	ssub.s32 $0x2, s3  }
0xa: {  	s3 =	sor.u32 s3, s5;
	s5 =	sand.u32 $0x30, s24;
	s24 =	simm.s32 $0x10A00  }
0xb: {  	s25 =	sshrl.u32 s6, $0x1;
	s8 =	sshll.u32 s3, $0x8;
	s0 =	sadd.s32 s0, s5  }
0xc: {  	v2 =	vlaneseq.u32;
	s5 =	sshll.u32 s3, $0x6;
	s9 =	ssub.s32 s6, s25;
	s26 =	sand.u32 $0x700, s8  }
0xd: {  	vm0 =	vmmov $0xffff;
	v1 =	vshrl.u32 v2, $0x3;
	s8 =	sadd.s32 $0x200, s1;
	s25 =	simm.s32 $0x11200;
	s6 =	sadd.s32 s26, s0  }
0xe: {  	v0 =	vand.u32 $0x7, v2;
	v2 =	vor.u32 $0x8, v2;
	v1 =	vmul.u32 $0x8, v1;
	s9 =	smax.u32 s9, $0x1;
	s26 =	simm.s32 $0x11A00;
	s0 =	simm.s32 $0x0  }
.LBB2_1:
0xf: {  	s3 =	simm.s32 $0x80  }
0x10: {  	[tilespmem:s4], [sflag:$0x9] =	stream.strided.gather [hbm4b:s6+s3], $0x200, s11, s3, $0x38;
	[tilespmem:$0x18200] =	vst v63  }
0x11: {  	_ =	swait.ge [sflag:s12], $0x200  }
0x12: {  	[sflag:s12] =	ssyncset.done $0x0  }
0x13: {  	[sflag:s12] =	ssyncadd.s32 $0xFFFFFE00  }
0x14: {  	v3 =	vld [tilespmem:$0x0];
	_ =	sdelay $0x4  }
0x15: {  	v4 =	vshrl.u32 v3, $0x3  }
0x16: {  	v4 =	vmul.u32 $0x30, v4  }
0x17: {  	v3 =	vand.u32 $0x7, v3  }
0x18: {  	v3 =	vor.u32 v3, v4  }
0x19: {  	v4 =	vperm.xlane v3, v0;
	_ =	sdelay $0x1  }
0x1a: {  	v4 =	vadd.s32 v1, v4;
	_ =	sdelay $0x3  }
0x1b: {  	v3 =	vperm.xlane v3, v2  }
0x1c: {  	[tilespmem:s11], [sflag:$0x1] =	stream.indirect_vreg.gather [hbm4b:s1+s4], $0x80, v4, vm0, $0xb8;
	[tilespmem:$0x18200] =	vst v63  }
0x1d: {  	s19 =	simm.s32 $0xA00;
	v3 =	vadd.s32 v1, v3  }
0x1e: {  	[tilespmem:s19], [sflag:$0x1] =	stream.indirect_vreg.gather [hbm4b:s7+s4], $0x80, v4, vm0, $0xb8;
	[tilespmem:$0x18200] =	vst v63  }
0x1f: {  	s20 =	simm.s32 $0x1200  }
0x20: {  	[tilespmem:s20], [sflag:$0x1] =	stream.indirect_vreg.gather [hbm4b:s8+s4], $0x80, v4, vm0, $0xb8;
	[tilespmem:$0x18200] =	vst v63  }
0x21: {  	s10 =	simm.s32 $0x1A00  }
0x22: {  	[tilespmem:s10], [sflag:$0x1] =	stream.indirect_vreg.gather [hbm4b:s1+s4], $0x80, v3, vm0, $0xb8;
	[tilespmem:$0x18200] =	vst v63  }
0x23: {  	s13 =	simm.s32 $0x2200  }
0x24: {  	[tilespmem:s13], [sflag:$0x1] =	stream.indirect_vreg.gather [hbm4b:s7+s4], $0x80, v3, vm0, $0xb8;
	[tilespmem:$0x18200] =	vst v63  }
0x25: {  	s14 =	simm.s32 $0x2A00  }
0x26: {  	[tilespmem:s14], [sflag:$0x1] =	stream.indirect_vreg.gather [hbm4b:s8+s4], $0x80, v3, vm0, $0xb8;
	[tilespmem:$0x18200] =	vst v63  }
0x27: {  	v3 =	vld [tilespmem:$0x10];
	_ =	sdelay $0x4  }
0x28: {  	v59 =	vshrl.u32 v3, $0x3  }
0x29: {  	v4 =	vmul.u32 $0x30, v59  }
0x2a: {  	v3 =	vand.u32 $0x7, v3  }
0x2b: {  	v3 =	vor.u32 v3, v4  }
0x2c: {  	v4 =	vperm.xlane v3, v0;
	_ =	sdelay $0x1  }
0x2d: {  	v4 =	vadd.s32 v1, v4;
	_ =	sdelay $0x3  }
0x2e: {  	s15 =	simm.s32 $0x3200;
	v3 =	vperm.xlane v3, v2  }
0x2f: {  	[tilespmem:s15], [sflag:$0x1] =	stream.indirect_vreg.gather [hbm4b:s1+s4], $0x80, v4, vm0, $0xb8;
	[tilespmem:$0x18200] =	vst v63  }
0x30: {  	s16 =	simm.s32 $0x3A00;
	v3 =	vadd.s32 v1, v3  }
0x31: {  	[tilespmem:s16], [sflag:$0x1] =	stream.indirect_vreg.gather [hbm4b:s7+s4], $0x80, v4, vm0, $0xb8;
	[tilespmem:$0x18200] =	vst v63  }
0x32: {  	s17 =	simm.s32 $0x4200  }
0x33: {  	[tilespmem:s17], [sflag:$0x1] =	stream.indirect_vreg.gather [hbm4b:s8+s4], $0x80, v4, vm0, $0xb8;
	[tilespmem:$0x18200] =	vst v63  }
0x34: {  	s18 =	simm.s32 $0x4A00  }
0x35: {  	[tilespmem:s18], [sflag:$0x1] =	stream.indirect_vreg.gather [hbm4b:s1+s4], $0x80, v3, vm0, $0xb8;
	[tilespmem:$0x18200] =	vst v63  }
0x36: {  	s19 =	simm.s32 $0x5200  }
0x37: {  	[tilespmem:s19], [sflag:$0x1] =	stream.indirect_vreg.gather [hbm4b:s7+s4], $0x80, v3, vm0, $0xb8;
	[tilespmem:$0x18200] =	vst v63  }
0x38: {  	s20 =	simm.s32 $0x5A00  }
0x39: {  	[tilespmem:s20], [sflag:$0x1] =	stream.indirect_vreg.gather [hbm4b:s8+s4], $0x80, v3, vm0, $0xb8;
	[tilespmem:$0x18200] =	vst v63  }
0x3a: {  	v3 =	vld [tilespmem:$0x20];
	_ =	sdelay $0x4  }
0x3b: {  	v60 =	vshrl.u32 v3, $0x3  }
0x3c: {  	v4 =	vmul.u32 $0x30, v60  }
0x3d: {  	v3 =	vand.u32 $0x7, v3  }
0x3e: {  	v3 =	vor.u32 v3, v4  }
0x3f: {  	v4 =	vperm.xlane v3, v0;
	_ =	sdelay $0x1  }
0x40: {  	v4 =	vadd.s32 v1, v4;
	_ =	sdelay $0x3  }
0x41: {  	s10 =	simm.s32 $0x6200;
	v3 =	vperm.xlane v3, v2  }
0x42: {  	[tilespmem:s10], [sflag:$0x2] =	stream.indirect_vreg.gather [hbm4b:s1+s4], $0x80, v4, vm0, $0xb8;
	[tilespmem:$0x18200] =	vst v63  }
0x43: {  	s13 =	simm.s32 $0x6A00;
	v3 =	vadd.s32 v1, v3  }
0x44: {  	[tilespmem:s13], [sflag:$0x2] =	stream.indirect_vreg.gather [hbm4b:s7+s4], $0x80, v4, vm0, $0xb8;
	[tilespmem:$0x18200] =	vst v63  }
0x45: {  	s14 =	simm.s32 $0x7200  }
0x46: {  	[tilespmem:s14], [sflag:$0x2] =	stream.indirect_vreg.gather [hbm4b:s8+s4], $0x80, v4, vm0, $0xb8;
	[tilespmem:$0x18200] =	vst v63  }
0x47: {  	s15 =	simm.s32 $0x7A00  }
0x48: {  	[tilespmem:s15], [sflag:$0x2] =	stream.indirect_vreg.gather [hbm4b:s1+s4], $0x80, v3, vm0, $0xb8;
	[tilespmem:$0x18200] =	vst v63  }
0x49: {  	s16 =	simm.s32 $0x8200  }
0x4a: {  	[tilespmem:s16], [sflag:$0x2] =	stream.indirect_vreg.gather [hbm4b:s7+s4], $0x80, v3, vm0, $0xb8;
	[tilespmem:$0x18200] =	vst v63  }
0x4b: {  	s17 =	simm.s32 $0x8A00  }
0x4c: {  	[tilespmem:s17], [sflag:$0x2] =	stream.indirect_vreg.gather [hbm4b:s8+s4], $0x80, v3, vm0, $0xb8;
	[tilespmem:$0x18200] =	vst v63  }
0x4d: {  	v3 =	vld [tilespmem:$0x30];
	_ =	sdelay $0x4  }
0x4e: {  	v61 =	vshrl.u32 v3, $0x3  }
0x4f: {  	v4 =	vmul.u32 $0x30, v61  }
0x50: {  	v3 =	vand.u32 $0x7, v3  }
0x51: {  	v3 =	vor.u32 v3, v4  }
0x52: {  	v4 =	vperm.xlane v3, v0;
	_ =	sdelay $0x1  }
0x53: {  	v4 =	vadd.s32 v1, v4;
	_ =	sdelay $0x3  }
0x54: {  	s18 =	simm.s32 $0x9200;
	v3 =	vperm.xlane v3, v2  }
0x55: {  	[tilespmem:s18], [sflag:$0x2] =	stream.indirect_vreg.gather [hbm4b:s1+s4], $0x80, v4, vm0, $0xb8;
	[tilespmem:$0x18200] =	vst v63  }
0x56: {  	s19 =	simm.s32 $0x9A00;
	v3 =	vadd.s32 v1, v3  }
0x57: {  	[tilespmem:s19], [sflag:$0x2] =	stream.indirect_vreg.gather [hbm4b:s7+s4], $0x80, v4, vm0, $0xb8;
	[tilespmem:$0x18200] =	vst v63  }
0x58: {  	s20 =	simm.s32 $0xA200  }
0x59: {  	[tilespmem:s20], [sflag:$0x2] =	stream.indirect_vreg.gather [hbm4b:s8+s4], $0x80, v4, vm0, $0xb8;
	[tilespmem:$0x18200] =	vst v63  }
0x5a: {  	s10 =	simm.s32 $0xAA00  }
0x5b: {  	[tilespmem:s10], [sflag:$0x2] =	stream.indirect_vreg.gather [hbm4b:s1+s4], $0x80, v3, vm0, $0xb8;
	[tilespmem:$0x18200] =	vst v63  }
0x5c: {  	s13 =	simm.s32 $0xB200  }
0x5d: {  	[tilespmem:s13], [sflag:$0x2] =	stream.indirect_vreg.gather [hbm4b:s7+s4], $0x80, v3, vm0, $0xb8;
	[tilespmem:$0x18200] =	vst v63  }
0x5e: {  	s14 =	simm.s32 $0xBA00  }
0x5f: {  	[tilespmem:s14], [sflag:$0x2] =	stream.indirect_vreg.gather [hbm4b:s8+s4], $0x80, v3, vm0, $0xb8;
	[tilespmem:$0x18200] =	vst v63  }
0x60: {  	v3 =	vld [tilespmem:$0x40];
	_ =	sdelay $0x4  }
0x61: {  	v62 =	vshrl.u32 v3, $0x3  }
0x62: {  	v4 =	vmul.u32 $0x30, v62  }
0x63: {  	v3 =	vand.u32 $0x7, v3  }
0x64: {  	v3 =	vor.u32 v3, v4  }
0x65: {  	v4 =	vperm.xlane v3, v0;
	_ =	sdelay $0x1  }
0x66: {  	v4 =	vadd.s32 v1, v4;
	_ =	sdelay $0x3  }
0x67: {  	s15 =	simm.s32 $0xC200;
	v3 =	vperm.xlane v3, v2  }
0x68: {  	[tilespmem:s15], [sflag:$0x3] =	stream.indirect_vreg.gather [hbm4b:s1+s4], $0x80, v4, vm0, $0xb8;
	[tilespmem:$0x18200] =	vst v63  }
0x69: {  	s16 =	simm.s32 $0xCA00;
	v3 =	vadd.s32 v1, v3  }
0x6a: {  	[tilespmem:s16], [sflag:$0x3] =	stream.indirect_vreg.gather [hbm4b:s7+s4], $0x80, v4, vm0, $0xb8;
	[tilespmem:$0x18200] =	vst v63  }
0x6b: {  	s17 =	simm.s32 $0xD200  }
0x6c: {  	[tilespmem:s17], [sflag:$0x3] =	stream.indirect_vreg.gather [hbm4b:s8+s4], $0x80, v4, vm0, $0xb8;
	[tilespmem:$0x18200] =	vst v63  }
0x6d: {  	s18 =	simm.s32 $0xDA00  }
0x6e: {  	[tilespmem:s18], [sflag:$0x3] =	stream.indirect_vreg.gather [hbm4b:s1+s4], $0x80, v3, vm0, $0xb8;
	[tilespmem:$0x18200] =	vst v63  }
0x6f: {  	s19 =	simm.s32 $0xE200  }
0x70: {  	[tilespmem:s19], [sflag:$0x3] =	stream.indirect_vreg.gather [hbm4b:s7+s4], $0x80, v3, vm0, $0xb8;
	[tilespmem:$0x18200] =	vst v63  }
0x71: {  	s20 =	simm.s32 $0xEA00  }
0x72: {  	[tilespmem:s20], [sflag:$0x3] =	stream.indirect_vreg.gather [hbm4b:s8+s4], $0x80, v3, vm0, $0xb8;
	[tilespmem:$0x18200] =	vst v63  }
0x73: {  	v3 =	vld [tilespmem:$0x50];
	_ =	sdelay $0x4  }
0x74: {  	v63 =	vshrl.u32 v3, $0x3  }
0x75: {  	v4 =	vmul.u32 $0x30, v63  }
0x76: {  	v3 =	vand.u32 $0x7, v3  }
0x77: {  	v3 =	vor.u32 v3, v4  }
0x78: {  	v4 =	vperm.xlane v3, v0;
	_ =	sdelay $0x1  }
0x79: {  	v4 =	vadd.s32 v1, v4;
	_ =	sdelay $0x3  }
0x7a: {  	v3 =	vperm.xlane v3, v2  }
0x7b: {  	[tilespmem:s21], [sflag:$0x3] =	stream.indirect_vreg.gather [hbm4b:s1+s4], $0x80, v4, vm0, $0xb8;
	[tilespmem:$0x18200] =	vst v63  }
0x7c: {  	v3 =	vadd.s32 v1, v3  }
0x7d: {  	[tilespmem:s22], [sflag:$0x3] =	stream.indirect_vreg.gather [hbm4b:s7+s4], $0x80, v4, vm0, $0xb8;
	[tilespmem:$0x18200] =	vst v63  }
0x7e: {  	_ = 	snop  }
0x7f: {  	[tilespmem:s23], [sflag:$0x3] =	stream.indirect_vreg.gather [hbm4b:s8+s4], $0x80, v4, vm0, $0xb8;
	[tilespmem:$0x18200] =	vst v63  }
0x80: {  	_ = 	snop  }
0x81: {  	[tilespmem:s24], [sflag:$0x3] =	stream.indirect_vreg.gather [hbm4b:s1+s4], $0x80, v3, vm0, $0xb8;
	[tilespmem:$0x18200] =	vst v63  }
0x82: {  	_ = 	snop  }
0x83: {  	[tilespmem:s25], [sflag:$0x3] =	stream.indirect_vreg.gather [hbm4b:s7+s4], $0x80, v3, vm0, $0xb8;
	[tilespmem:$0x18200] =	vst v63  }
0x84: {  	s3 =	simm.s32 $0x0  }
0x85: {  	[tilespmem:s26], [sflag:$0x3] =	stream.indirect_vreg.gather [hbm4b:s8+s4], $0x80, v3, vm0, $0xb8;
	[tilespmem:$0x18200] =	vst v63  }
.LBB2_2:
0x86: {  	s14 =	sand.u32 $0x3, s3  }
0x87: {  	p0 =	sgt.u32 s3, $0xC;
	s10 =	sadd.s32 $0x1, s14  }
0x88: {  	s13 =	sadd.s32 $0x3, s3;
	p1 =	seq.s32 @!p0 s3, $0x0;
	_ =	swait.ge [sflag:s10], $0x6000  }
0x89: {  	s15 =	sand.u32 $0x3, s13;
	p1 =	por p1, p0;
	[sflag:s10] =	ssyncset.done $0x0  }
0x8a: {  	[sflag:s10] =	ssyncadd.s32 $0xFFFFA000;
	s10 =	sadd.s32 @!p1 $0x5, s15  }
0x8b: {  	_ =	swait.ge @!p1 [sflag:s10], $0x6000  }
0x8c: {  	s13 =	sshll.u32 @!p0 s13, $0x5;
	[sflag:s10] =	ssyncset.done @!p1 $0x0  }
0x8d: {  	[sflag:s10] =	ssyncadd.s32 @!p1 $0xFFFFA000;
	s10 =	sand.u32 @!p0 $0x3FFFFFE0, s13  }
0x8e: {  	v3 =	vld @!p0 [tilespmem:s10+$0x0];
	_ =	sdelay $0x4  }
0x8f: {  	v4 =	vshrl.u32 @!p0 v3, $0x3  }
0x90: {  	v4 =	vmul.u32 @!p0 $0x30, v4  }
0x91: {  	v5 =	vlaneseq.u32 @!p0;
	v3 =	vand.u32 @!p0 $0x7, v3  }
0x92: {  	v6 =	vshrl.u32 @!p0 v5, $0x3;
	v3 =	vor.u32 @!p0 v3, v4;
	v4 =	vand.u32 @!p0 $0x7, v5  }
0x93: {  	v6 =	vmul.u32 @!p0 $0x8, v6;
	v7 =	vperm.xlane @!p0 v3, v4;
	_ =	sdelay $0x1  }
0x94: {  	v7 =	vadd.s32 @!p0 v6, v7  }
0x95: {  	s13 =	smul.u32 @!p0 $0x18000, s15;
	_ =	sdelay $0x1  }
0x96: {  	s13 =	sshrl.u32 @!p0 s13, $0x2;
	v5 =	vor.u32 @!p0 $0x8, v5  }
0x97: {  	vm1 =	vmmov @!p0 $0xffff;
	s17 =	simm.s32 @!p0 $0x0;
	s15 =	sadd.s32 @!p0 $0x1, s15;
	s16 =	sor.u32 @!p0 $0x200, s13;
	v3 =	vperm.xlane @!p0 v3, v5  }
0x98: {  	[tilespmem:s16], [sflag:s15] =	stream.indirect_vreg.gather @!p0 [hbm4b:s1+s17], $0x80, v7, vm1, $0xb8;
	[tilespmem:$0x18200] =	vst v63  }
0x99: {  	v3 =	vadd.s32 @!p0 v6, v3;
	s16 =	sor.u32 @!p0 $0xA00, s13  }
0x9a: {  	[tilespmem:s16], [sflag:s15] =	stream.indirect_vreg.gather @!p0 [hbm4b:s7+s17], $0x80, v7, vm1, $0xb8;
	[tilespmem:$0x18200] =	vst v63  }
0x9b: {  	s16 =	sor.u32 @!p0 $0x1200, s13  }
0x9c: {  	[tilespmem:s16], [sflag:s15] =	stream.indirect_vreg.gather @!p0 [hbm4b:s8+s17], $0x80, v7, vm1, $0xb8;
	[tilespmem:$0x18200] =	vst v63  }
0x9d: {  	s16 =	sor.u32 @!p0 $0x1A00, s13  }
0x9e: {  	[tilespmem:s16], [sflag:s15] =	stream.indirect_vreg.gather @!p0 [hbm4b:s1+s17], $0x80, v3, vm1, $0xb8;
	[tilespmem:$0x18200] =	vst v63  }
0x9f: {  	s16 =	sadd.s32 @!p0 $0x2200, s13  }
0xa0: {  	[tilespmem:s16], [sflag:s15] =	stream.indirect_vreg.gather @!p0 [hbm4b:s7+s17], $0x80, v3, vm1, $0xb8;
	[tilespmem:$0x18200] =	vst v63  }
0xa1: {  	s16 =	sadd.s32 @!p0 $0x2A00, s13  }
0xa2: {  	[tilespmem:s16], [sflag:s15] =	stream.indirect_vreg.gather @!p0 [hbm4b:s8+s17], $0x80, v3, vm1, $0xb8;
	[tilespmem:$0x18200] =	vst v63  }
0xa3: {  	v3 =	vld @!p0 [tilespmem:s10+$0x10];
	_ =	sdelay $0x4  }
0xa4: {  	v7 =	vshrl.u32 @!p0 v3, $0x3  }
0xa5: {  	v7 =	vmul.u32 @!p0 $0x30, v7  }
0xa6: {  	v3 =	vand.u32 @!p0 $0x7, v3  }
0xa7: {  	v3 =	vor.u32 @!p0 v3, v7  }
0xa8: {  	v4 =	vperm.xlane @!p0 v3, v4;
	_ =	sdelay $0x1  }
0xa9: {  	v4 =	vadd.s32 @!p0 v6, v4;
	_ =	sdelay $0x3  }
0xaa: {  	s10 =	sadd.s32 @!p0 $0x3200, s13;
	v3 =	vperm.xlane @!p0 v3, v5  }
0xab: {  	[tilespmem:s10], [sflag:s15] =	stream.indirect_vreg.gather @!p0 [hbm4b:s1+s17], $0x80, v4, vm1, $0xb8;
	[tilespmem:$0x18200] =	vst v63  }
0xac: {  	v3 =	vadd.s32 @!p0 v6, v3;
	s10 =	sadd.s32 @!p0 $0x3A00, s13  }
0xad: {  	[tilespmem:s10], [sflag:s15] =	stream.indirect_vreg.gather @!p0 [hbm4b:s7+s17], $0x80, v4, vm1, $0xb8;
	[tilespmem:$0x18200] =	vst v63  }
0xae: {  	s10 =	sadd.s32 @!p0 $0x4200, s13  }
0xaf: {  	[tilespmem:s10], [sflag:s15] =	stream.indirect_vreg.gather @!p0 [hbm4b:s8+s17], $0x80, v4, vm1, $0xb8;
	[tilespmem:$0x18200] =	vst v63  }
0xb0: {  	s10 =	sadd.s32 @!p0 $0x4A00, s13  }
0xb1: {  	[tilespmem:s10], [sflag:s15] =	stream.indirect_vreg.gather @!p0 [hbm4b:s1+s17], $0x80, v3, vm1, $0xb8;
	[tilespmem:$0x18200] =	vst v63  }
0xb2: {  	s10 =	sadd.s32 @!p0 $0x5200, s13  }
0xb3: {  	[tilespmem:s10], [sflag:s15] =	stream.indirect_vreg.gather @!p0 [hbm4b:s7+s17], $0x80, v3, vm1, $0xb8;
	[tilespmem:$0x18200] =	vst v63  }
0xb4: {  	s10 =	sadd.s32 @!p0 $0x5A00, s13  }
0xb5: {  	[tilespmem:s10], [sflag:s15] =	stream.indirect_vreg.gather @!p0 [hbm4b:s8+s17], $0x80, v3, vm1, $0xb8;
	[tilespmem:$0x18200] =	vst v63  }
0xb6: {  	s18 =	simm.s32 $0x0;
	s17 =	smul.u32 $0x18000, s14  }
0xb7: {  	s19 =	smul.u32 $0x6000, s18  }
0xb8: {  	s10 =	sshrl.u32 s17, $0x2  }
0xb9: {  	s16 =	sshra.s32 s19, $0x2;
	s15 =	simm.s32 $0x0;
	s13 =	sor.u32 $0x200, s10  }
0xba: {  	s20 =	sand.u32 $0x380, s15;
	s16 =	sadd.s32 s16, s13  }
0xbb: {  	s16 =	sadd.s32 s20, s16  }
0xbc: {  	v3 =	vld [tilespmem:s16+$0x0]  }
0xbd: {  	v4 =	vld [tilespmem:s16+$0x10]  }
0xbe: {  	v5 =	vld [tilespmem:s16+$0x20]  }
0xbf: {  	v6 =	vld [tilespmem:s16+$0x30]  }
0xc0: {  	v7 =	vld [tilespmem:s16+$0x40]  }
0xc1: {  	v8 =	vld [tilespmem:s16+$0x50];
	v3 =	vmul.f32 $2.771281240e+01, v3  }
0xc2: {  	v9 =	vld [tilespmem:s16+$0x60];
	v4 =	vmul.f32 $2.771281240e+01, v4  }
0xc3: {  	[tilespmem:s16+$0x0] =	vst v3;
	v3 =	vmul.f32 $2.771281240e+01, v5;
	v5 =	vld [tilespmem:s16+$0x70]  }
0xc4: {  	[tilespmem:s16+$0x10] =	vst v4;
	v4 =	vmul.f32 $2.771281240e+01, v6;
	v6 =	vld [tilespmem:s16+$0x400]  }
0xc5: {  	[tilespmem:s16+$0x20] =	vst v3;
	v3 =	vmul.f32 $2.771281240e+01, v7;
	v7 =	vld [tilespmem:s16+$0x410]  }
0xc6: {  	[tilespmem:s16+$0x30] =	vst v4;
	v4 =	vmul.f32 $2.771281240e+01, v8;
	v8 =	vld [tilespmem:s16+$0x420]  }
0xc7: {  	[tilespmem:s16+$0x40] =	vst v3;
	v3 =	vmul.f32 $2.771281240e+01, v9;
	v9 =	vld [tilespmem:s16+$0x430]  }
0xc8: {  	[tilespmem:s16+$0x50] =	vst v4;
	v4 =	vmul.f32 $2.771281240e+01, v5;
	v5 =	vld [tilespmem:s16+$0x440]  }
0xc9: {  	[tilespmem:s16+$0x60] =	vst v3;
	v3 =	vmul.f32 $2.771281240e+01, v6;
	v6 =	vld [tilespmem:s16+$0x450]  }
0xca: {  	[tilespmem:s16+$0x70] =	vst v4;
	v4 =	vmul.f32 $2.771281240e+01, v7;
	v7 =	vld [tilespmem:s16+$0x460]  }
0xcb: {  	[tilespmem:s16+$0x400] =	vst v3;
	v3 =	vmul.f32 $2.771281240e+01, v8;
	v8 =	vld [tilespmem:s16+$0x470]  }
0xcc: {  	[tilespmem:s16+$0x410] =	vst v4;
	v4 =	vmul.f32 $2.771281240e+01, v9;
	v9 =	vld [tilespmem:s16+$0x800]  }
0xcd: {  	[tilespmem:s16+$0x420] =	vst v3;
	v3 =	vmul.f32 $2.771281240e+01, v5;
	v5 =	vld [tilespmem:s16+$0x810]  }
0xce: {  	[tilespmem:s16+$0x430] =	vst v4;
	v4 =	vmul.f32 $2.771281240e+01, v6;
	v6 =	vld [tilespmem:s16+$0x820]  }
0xcf: {  	[tilespmem:s16+$0x440] =	vst v3;
	v3 =	vmul.f32 $2.771281240e+01, v7;
	v7 =	vld [tilespmem:s16+$0x830]  }
0xd0: {  	[tilespmem:s16+$0x450] =	vst v4;
	v4 =	vmul.f32 $2.771281240e+01, v8;
	v8 =	vld [tilespmem:s16+$0x840]  }
0xd1: {  	[tilespmem:s16+$0x460] =	vst v3;
	v3 =	vmul.f32 $2.771281240e+01, v9;
	v9 =	vld [tilespmem:s16+$0x850]  }
0xd2: {  	[tilespmem:s16+$0x470] =	vst v4;
	v4 =	vmul.f32 $2.771281240e+01, v5;
	v5 =	vld [tilespmem:s16+$0x860]  }
0xd3: {  	[tilespmem:s16+$0x800] =	vst v3;
	v3 =	vmul.f32 $2.771281240e+01, v6;
	v6 =	vld [tilespmem:s16+$0x870]  }
0xd4: {  	[tilespmem:s16+$0x810] =	vst v4;
	v4 =	vmul.f32 $2.771281240e+01, v7;
	v7 =	vld [tilespmem:s16+$0xC00]  }
0xd5: {  	[tilespmem:s16+$0x820] =	vst v3;
	v3 =	vmul.f32 $2.771281240e+01, v8;
	v8 =	vld [tilespmem:s16+$0xC10]  }
0xd6: {  	[tilespmem:s16+$0x830] =	vst v4;
	v4 =	vmul.f32 $2.771281240e+01, v9;
	v9 =	vld [tilespmem:s16+$0xC20]  }
0xd7: {  	[tilespmem:s16+$0x840] =	vst v3;
	v3 =	vmul.f32 $2.771281240e+01, v5;
	v5 =	vld [tilespmem:s16+$0xC30]  }
0xd8: {  	[tilespmem:s16+$0x850] =	vst v4;
	v4 =	vmul.f32 $2.771281240e+01, v6;
	v6 =	vld [tilespmem:s16+$0xC40]  }
0xd9: {  	[tilespmem:s16+$0x860] =	vst v3;
	v3 =	vmul.f32 $2.771281240e+01, v7;
	v7 =	vld [tilespmem:s16+$0xC50]  }
0xda: {  	[tilespmem:s16+$0x870] =	vst v4;
	v4 =	vmul.f32 $2.771281240e+01, v8;
	v8 =	vld [tilespmem:s16+$0xC60]  }
0xdb: {  	[tilespmem:s16+$0xC00] =	vst v3;
	v3 =	vmul.f32 $2.771281240e+01, v9;
	v9 =	vld [tilespmem:s16+$0xC70]  }
0xdc: {  	[tilespmem:s16+$0xC10] =	vst v4;
	v4 =	vmul.f32 $2.771281240e+01, v5;
	v5 =	vld [tilespmem:s16+$0x1000]  }
0xdd: {  	[tilespmem:s16+$0xC20] =	vst v3;
	v3 =	vmul.f32 $2.771281240e+01, v6;
	v6 =	vld [tilespmem:s16+$0x1010]  }
0xde: {  	v10 =	vld [tilespmem:s16+$0x1020];
	[tilespmem:s16+$0xC30] =	vst v4;
	v4 =	vmul.f32 $2.771281240e+01, v7  }
0xdf: {  	[tilespmem:s16+$0xC40] =	vst v3;
	v3 =	vmul.f32 $2.771281240e+01, v8;
	v8 =	vld [tilespmem:s16+$0x1030]  }
0xe0: {  	v11 =	vld [tilespmem:s16+$0x1040];
	[tilespmem:s16+$0xC50] =	vst v4;
	v4 =	vmul.f32 $2.771281240e+01, v9  }
0xe1: {  	v7 =	vld [tilespmem:s16+$0x1050];
	[tilespmem:s16+$0xC60] =	vst v3;
	v3 =	vmul.f32 $2.771281240e+01, v5  }
0xe2: {  	v5 =	vld [tilespmem:s16+$0x1060];
	[tilespmem:s16+$0xC70] =	vst v4;
	v4 =	vmul.f32 $2.771281240e+01, v6  }
0xe3: {  	v6 =	vld [tilespmem:s16+$0x1070];
	[tilespmem:s16+$0x1000] =	vst v3;
	v3 =	vmul.f32 $2.771281240e+01, v10  }
0xe4: {  	[tilespmem:s16+$0x1010] =	vst v4;
	v4 =	vld [tilespmem:s16+$0x1400];
	v9 =	vmul.f32 $2.771281240e+01, v8  }
0xe5: {  	s17 =	simm.s32 $0x1;
	v8 =	vmul.f32 $2.771281240e+01, v11;
	[tilespmem:s16+$0x1020] =	vst v3;
	v3 =	vld [tilespmem:s16+$0x1410]  }
.LBB2_3:
0xe6: {  	s18 =	sshrl.u32 s17, $0x3;
	p0 =	sne.s32 s17, $0xF;
	[tilespmem:s16+$0x1030] =	vst v9;
	v7 =	vmul.f32 $2.771281240e+01, v7;
	v9 =	vld [tilespmem:s16+$0x1420]  }
0xe7: {  	s18 =	smul.u32 $0x6000, s18;
	[tilespmem:s16+$0x1040] =	vst v8;
	v5 =	vmul.f32 $2.771281240e+01, v5;
	v8 =	vld [tilespmem:s16+$0x1430]  }
0xe8: {  	[tilespmem:s16+$0x1050] =	vst v7;
	v6 =	vmul.f32 $2.771281240e+01, v6;
	v7 =	vld [tilespmem:s16+$0x1440]  }
0xe9: {  	s15 =	sadd.s32 $0x80, s15;
	s18 =	sshra.s32 s18, $0x2;
	[tilespmem:s16+$0x1060] =	vst v5;
	v4 =	vmul.f32 $2.771281240e+01, v4;
	v5 =	vld [tilespmem:s16+$0x1450]  }
0xea: {  	s19 =	sand.u32 $0x380, s15;
	s18 =	sadd.s32 s18, s13;
	[tilespmem:s16+$0x1070] =	vst v6;
	v3 =	vmul.f32 $2.771281240e+01, v3;
	v6 =	vld [tilespmem:s16+$0x1460]  }
0xeb: {  	s18 =	sadd.s32 s19, s18;
	[tilespmem:s16+$0x1400] =	vst v4;
	v4 =	vmul.f32 $2.771281240e+01, v9;
	v9 =	vld [tilespmem:s16+$0x1470]  }
0xec: {  	v10 =	vld [tilespmem:s18+$0x0];
	[tilespmem:s16+$0x1410] =	vst v3;
	v3 =	vmul.f32 $2.771281240e+01, v8  }
0xed: {  	v8 =	vld [tilespmem:s18+$0x10];
	[tilespmem:s16+$0x1420] =	vst v4;
	v4 =	vmul.f32 $2.771281240e+01, v7  }
0xee: {  	v7 =	vld [tilespmem:s18+$0x20];
	[tilespmem:s16+$0x1430] =	vst v3;
	v3 =	vmul.f32 $2.771281240e+01, v5  }
0xef: {  	v5 =	vld [tilespmem:s18+$0x30];
	[tilespmem:s16+$0x1440] =	vst v4;
	v4 =	vmul.f32 $2.771281240e+01, v6  }
0xf0: {  	v6 =	vld [tilespmem:s18+$0x40];
	[tilespmem:s16+$0x1450] =	vst v3;
	v3 =	vmul.f32 $2.771281240e+01, v9  }
0xf1: {  	v9 =	vmul.f32 $2.771281240e+01, v10;
	v10 =	vld [tilespmem:s18+$0x50];
	[tilespmem:s16+$0x1460] =	vst v4  }
0xf2: {  	v4 =	vmul.f32 $2.771281240e+01, v8;
	v8 =	vld [tilespmem:s18+$0x60];
	[tilespmem:s16+$0x1470] =	vst v3;
	s16 =	smov.u32 s18  }
0xf3: {  	[tilespmem:s16+$0x0] =	vst v9;
	v3 =	vmul.f32 $2.771281240e+01, v7;
	v7 =	vld [tilespmem:s16+$0x70]  }
0xf4: {  	[tilespmem:s16+$0x10] =	vst v4;
	v4 =	vmul.f32 $2.771281240e+01, v5;
	v5 =	vld [tilespmem:s16+$0x400]  }
0xf5: {  	[tilespmem:s16+$0x20] =	vst v3;
	v3 =	vmul.f32 $2.771281240e+01, v6;
	v6 =	vld [tilespmem:s16+$0x410]  }
0xf6: {  	[tilespmem:s16+$0x30] =	vst v4;
	v4 =	vmul.f32 $2.771281240e+01, v10;
	v9 =	vld [tilespmem:s16+$0x420]  }
0xf7: {  	[tilespmem:s16+$0x40] =	vst v3;
	v3 =	vmul.f32 $2.771281240e+01, v8;
	v8 =	vld [tilespmem:s16+$0x430]  }
0xf8: {  	[tilespmem:s16+$0x50] =	vst v4;
	v4 =	vmul.f32 $2.771281240e+01, v7;
	v7 =	vld [tilespmem:s16+$0x440]  }
0xf9: {  	[tilespmem:s16+$0x60] =	vst v3;
	v3 =	vmul.f32 $2.771281240e+01, v5;
	v5 =	vld [tilespmem:s16+$0x450]  }
0xfa: {  	[tilespmem:s16+$0x70] =	vst v4;
	v4 =	vmul.f32 $2.771281240e+01, v6;
	v6 =	vld [tilespmem:s16+$0x460]  }
0xfb: {  	[tilespmem:s16+$0x400] =	vst v3;
	v3 =	vmul.f32 $2.771281240e+01, v9;
	v9 =	vld [tilespmem:s16+$0x470]  }
0xfc: {  	[tilespmem:s16+$0x410] =	vst v4;
	v4 =	vmul.f32 $2.771281240e+01, v8;
	v8 =	vld [tilespmem:s16+$0x800]  }
0xfd: {  	[tilespmem:s16+$0x420] =	vst v3;
	v3 =	vmul.f32 $2.771281240e+01, v7;
	v7 =	vld [tilespmem:s16+$0x810]  }
0xfe: {  	[tilespmem:s16+$0x430] =	vst v4;
	v4 =	vmul.f32 $2.771281240e+01, v5;
	v5 =	vld [tilespmem:s16+$0x820]  }
0xff: {  	[tilespmem:s16+$0x440] =	vst v3;
	v3 =	vmul.f32 $2.771281240e+01, v6;
	v6 =	vld [tilespmem:s16+$0x830]  }
0x100: {  	[tilespmem:s16+$0x450] =	vst v4;
	v4 =	vmul.f32 $2.771281240e+01, v9;
	v9 =	vld [tilespmem:s16+$0x840]  }
0x101: {  	[tilespmem:s16+$0x460] =	vst v3;
	v3 =	vmul.f32 $2.771281240e+01, v8;
	v8 =	vld [tilespmem:s16+$0x850]  }
0x102: {  	[tilespmem:s16+$0x470] =	vst v4;
	v4 =	vmul.f32 $2.771281240e+01, v7;
	v7 =	vld [tilespmem:s16+$0x860]  }
0x103: {  	[tilespmem:s16+$0x800] =	vst v3;
	v3 =	vmul.f32 $2.771281240e+01, v5;
	v5 =	vld [tilespmem:s16+$0x870]  }
0x104: {  	[tilespmem:s16+$0x810] =	vst v4;
	v4 =	vmul.f32 $2.771281240e+01, v6;
	v6 =	vld [tilespmem:s16+$0xC00]  }
0x105: {  	[tilespmem:s16+$0x820] =	vst v3;
	v3 =	vmul.f32 $2.771281240e+01, v9;
	v9 =	vld [tilespmem:s16+$0xC10]  }
0x106: {  	[tilespmem:s16+$0x830] =	vst v4;
	v4 =	vmul.f32 $2.771281240e+01, v8;
	v8 =	vld [tilespmem:s16+$0xC20]  }
0x107: {  	[tilespmem:s16+$0x840] =	vst v3;
	v3 =	vmul.f32 $2.771281240e+01, v7;
	v7 =	vld [tilespmem:s16+$0xC30]  }
0x108: {  	[tilespmem:s16+$0x850] =	vst v4;
	v4 =	vmul.f32 $2.771281240e+01, v5;
	v5 =	vld [tilespmem:s16+$0xC40]  }
0x109: {  	[tilespmem:s16+$0x860] =	vst v3;
	v3 =	vmul.f32 $2.771281240e+01, v6;
	v6 =	vld [tilespmem:s16+$0xC50]  }
0x10a: {  	[tilespmem:s16+$0x870] =	vst v4;
	v4 =	vmul.f32 $2.771281240e+01, v9;
	v9 =	vld [tilespmem:s16+$0xC60]  }
0x10b: {  	[tilespmem:s16+$0xC00] =	vst v3;
	v3 =	vmul.f32 $2.771281240e+01, v8;
	v8 =	vld [tilespmem:s16+$0xC70]  }
0x10c: {  	[tilespmem:s16+$0xC10] =	vst v4;
	v4 =	vmul.f32 $2.771281240e+01, v7;
	v7 =	vld [tilespmem:s16+$0x1000]  }
0x10d: {  	[tilespmem:s16+$0xC20] =	vst v3;
	v3 =	vmul.f32 $2.771281240e+01, v5;
	v5 =	vld [tilespmem:s16+$0x1010]  }
0x10e: {  	[tilespmem:s16+$0xC30] =	vst v4;
	v4 =	vmul.f32 $2.771281240e+01, v6;
	v6 =	vld [tilespmem:s16+$0x1020]  }
0x10f: {  	[tilespmem:s16+$0xC40] =	vst v3;
	v3 =	vmul.f32 $2.771281240e+01, v9;
	v9 =	vld [tilespmem:s16+$0x1030]  }
0x110: {  	[tilespmem:s16+$0xC50] =	vst v4;
	v4 =	vmul.f32 $2.771281240e+01, v8;
	v8 =	vld [tilespmem:s16+$0x1040]  }
.Ltmp0:
0x111: {  	[tilespmem:s16+$0xC60] =	vst v3;
	v3 =	vmul.f32 $2.771281240e+01, v7;
	v7 =	vld [tilespmem:s16+$0x1050];
	(pc) =	sbr.rel @p0 .LBB2_3-.Ltmp0, $4  }
0x112: {  	[tilespmem:s16+$0xC70] =	vst v4;
	v4 =	vmul.f32 $2.771281240e+01, v5;
	v5 =	vld [tilespmem:s16+$0x1060]  }
0x113: {  	[tilespmem:s16+$0x1000] =	vst v3;
	v3 =	vmul.f32 $2.771281240e+01, v6;
	v6 =	vld [tilespmem:s16+$0x1070]  }
0x114: {  	[tilespmem:s16+$0x1010] =	vst v4;
	v9 =	vmul.f32 $2.771281240e+01, v9;
	v4 =	vld [tilespmem:s16+$0x1400]  }
0x115: {  	s17 =	sadd.s32 $0x1, s17;
	[tilespmem:s16+$0x1020] =	vst v3;
	v8 =	vmul.f32 $2.771281240e+01, v8;
	v3 =	vld [tilespmem:s16+$0x1410]  }
0x116: {  	[tilespmem:s16+$0x1030] =	vst v9;
	v7 =	vmul.f32 $2.771281240e+01, v7;
	v9 =	vld [tilespmem:s16+$0x1420]  }
0x117: {  	[tilespmem:s16+$0x1040] =	vst v8;
	v5 =	vmul.f32 $2.771281240e+01, v5;
	v8 =	vld [tilespmem:s16+$0x1430]  }
0x118: {  	[tilespmem:s16+$0x1050] =	vst v7;
	v6 =	vmul.f32 $2.771281240e+01, v6;
	v7 =	vld [tilespmem:s16+$0x1440]  }
0x119: {  	[tilespmem:s16+$0x1060] =	vst v5;
	v4 =	vmul.f32 $2.771281240e+01, v4;
	v5 =	vld [tilespmem:s16+$0x1450]  }
0x11a: {  	[tilespmem:s16+$0x1070] =	vst v6;
	v3 =	vmul.f32 $2.771281240e+01, v3;
	v6 =	vld [tilespmem:s16+$0x1460]  }
0x11b: {  	[tilespmem:s16+$0x1400] =	vst v4;
	v4 =	vmul.f32 $2.771281240e+01, v9;
	v9 =	vld [tilespmem:s16+$0x1470]  }
0x11c: {  	[tilespmem:s16+$0x1410] =	vst v3;
	v3 =	vmul.f32 $2.771281240e+01, v8  }
0x11d: {  	[tilespmem:s16+$0x1420] =	vst v4;
	v4 =	vmul.f32 $2.771281240e+01, v7  }
0x11e: {  	s15 =	sshll.u32 s3, $0x2;
	s18 =	simm.s32 $0x0;
	[tilespmem:s16+$0x1430] =	vst v3;
	v3 =	vmul.f32 $2.771281240e+01, v5  }
0x11f: {  	s15 =	sadd.s32 s5, s15;
	s18 =	smul.u32 $0x6000, s18;
	[tilespmem:s16+$0x1440] =	vst v4;
	v4 =	vmul.f32 $2.771281240e+01, v6  }
0x120: {  	s17 =	smul.u32 $0x300, s15;
	[tilespmem:s16+$0x1450] =	vst v3;
	v3 =	vmul.f32 $2.771281240e+01, v9  }
0x121: {  	s14 =	sadd.s32 $0x5, s14;
	[tilespmem:s16+$0x1460] =	vst v4  }
0x122: {  	s19 =	sshra.s32 s18, $0x2;
	s20 =	sadd.s32 s2, s17;
	s17 =	simm.s32 $0x0;
	[tilespmem:s16+$0x1470] =	vst v3  }
0x123: {  	[hbm4b:s20+s17] =	stream.linear.scatter [tilespmem:s13], [sflag:s14], $0x3000, $0x38;
	[tilespmem:$0x18200] =	vst v63  }
0x124: {  	s16 =	sadd.s32 s19, s13;
	s20 =	sand.u32 $0x380, s17  }
0x125: {  	s16 =	sadd.s32 s20, s16  }
0x126: {  	v3 =	vld [tilespmem:s16+$0x3000]  }
0x127: {  	v4 =	vld [tilespmem:s16+$0x3010]  }
0x128: {  	v5 =	vld [tilespmem:s16+$0x3020]  }
0x129: {  	v6 =	vld [tilespmem:s16+$0x3030]  }
0x12a: {  	v7 =	vld [tilespmem:s16+$0x3040]  }
0x12b: {  	v8 =	vld [tilespmem:s16+$0x3050];
	v3 =	vmul.f32 $2.771281240e+01, v3  }
0x12c: {  	v9 =	vld [tilespmem:s16+$0x3060];
	v4 =	vmul.f32 $2.771281240e+01, v4  }
0x12d: {  	[tilespmem:s16+$0x3000] =	vst v3;
	v3 =	vmul.f32 $2.771281240e+01, v5;
	v5 =	vld [tilespmem:s16+$0x3070]  }
0x12e: {  	[tilespmem:s16+$0x3010] =	vst v4;
	v4 =	vmul.f32 $2.771281240e+01, v6;
	v6 =	vld [tilespmem:s16+$0x3400]  }
0x12f: {  	[tilespmem:s16+$0x3020] =	vst v3;
	v3 =	vmul.f32 $2.771281240e+01, v7;
	v7 =	vld [tilespmem:s16+$0x3410]  }
0x130: {  	[tilespmem:s16+$0x3030] =	vst v4;
	v4 =	vmul.f32 $2.771281240e+01, v8;
	v8 =	vld [tilespmem:s16+$0x3420]  }
0x131: {  	[tilespmem:s16+$0x3040] =	vst v3;
	v3 =	vmul.f32 $2.771281240e+01, v9;
	v9 =	vld [tilespmem:s16+$0x3430]  }
0x132: {  	[tilespmem:s16+$0x3050] =	vst v4;
	v4 =	vmul.f32 $2.771281240e+01, v5;
	v5 =	vld [tilespmem:s16+$0x3440]  }
0x133: {  	[tilespmem:s16+$0x3060] =	vst v3;
	v3 =	vmul.f32 $2.771281240e+01, v6;
	v6 =	vld [tilespmem:s16+$0x3450]  }
0x134: {  	[tilespmem:s16+$0x3070] =	vst v4;
	v4 =	vmul.f32 $2.771281240e+01, v7;
	v7 =	vld [tilespmem:s16+$0x3460]  }
0x135: {  	[tilespmem:s16+$0x3400] =	vst v3;
	v3 =	vmul.f32 $2.771281240e+01, v8;
	v8 =	vld [tilespmem:s16+$0x3470]  }
0x136: {  	[tilespmem:s16+$0x3410] =	vst v4;
	v4 =	vmul.f32 $2.771281240e+01, v9;
	v9 =	vld [tilespmem:s16+$0x3800]  }
0x137: {  	[tilespmem:s16+$0x3420] =	vst v3;
	v3 =	vmul.f32 $2.771281240e+01, v5;
	v5 =	vld [tilespmem:s16+$0x3810]  }
0x138: {  	[tilespmem:s16+$0x3430] =	vst v4;
	v4 =	vmul.f32 $2.771281240e+01, v6;
	v6 =	vld [tilespmem:s16+$0x3820]  }
0x139: {  	[tilespmem:s16+$0x3440] =	vst v3;
	v3 =	vmul.f32 $2.771281240e+01, v7;
	v7 =	vld [tilespmem:s16+$0x3830]  }
0x13a: {  	[tilespmem:s16+$0x3450] =	vst v4;
	v4 =	vmul.f32 $2.771281240e+01, v8;
	v8 =	vld [tilespmem:s16+$0x3840]  }
0x13b: {  	[tilespmem:s16+$0x3460] =	vst v3;
	v3 =	vmul.f32 $2.771281240e+01, v9;
	v9 =	vld [tilespmem:s16+$0x3850]  }
0x13c: {  	[tilespmem:s16+$0x3470] =	vst v4;
	v4 =	vmul.f32 $2.771281240e+01, v5;
	v5 =	vld [tilespmem:s16+$0x3860]  }
0x13d: {  	[tilespmem:s16+$0x3800] =	vst v3;
	v3 =	vmul.f32 $2.771281240e+01, v6;
	v6 =	vld [tilespmem:s16+$0x3870]  }
0x13e: {  	[tilespmem:s16+$0x3810] =	vst v4;
	v4 =	vmul.f32 $2.771281240e+01, v7;
	v7 =	vld [tilespmem:s16+$0x3C00]  }
0x13f: {  	[tilespmem:s16+$0x3820] =	vst v3;
	v3 =	vmul.f32 $2.771281240e+01, v8;
	v8 =	vld [tilespmem:s16+$0x3C10]  }
0x140: {  	[tilespmem:s16+$0x3830] =	vst v4;
	v4 =	vmul.f32 $2.771281240e+01, v9;
	v9 =	vld [tilespmem:s16+$0x3C20]  }
0x141: {  	[tilespmem:s16+$0x3840] =	vst v3;
	v3 =	vmul.f32 $2.771281240e+01, v5;
	v5 =	vld [tilespmem:s16+$0x3C30]  }
0x142: {  	[tilespmem:s16+$0x3850] =	vst v4;
	v4 =	vmul.f32 $2.771281240e+01, v6;
	v6 =	vld [tilespmem:s16+$0x3C40]  }
0x143: {  	[tilespmem:s16+$0x3860] =	vst v3;
	v3 =	vmul.f32 $2.771281240e+01, v7;
	v7 =	vld [tilespmem:s16+$0x3C50]  }
0x144: {  	[tilespmem:s16+$0x3870] =	vst v4;
	v4 =	vmul.f32 $2.771281240e+01, v8;
	v8 =	vld [tilespmem:s16+$0x3C60]  }
0x145: {  	[tilespmem:s16+$0x3C00] =	vst v3;
	v3 =	vmul.f32 $2.771281240e+01, v9;
	v9 =	vld [tilespmem:s16+$0x3C70]  }
0x146: {  	[tilespmem:s16+$0x3C10] =	vst v4;
	v4 =	vmul.f32 $2.771281240e+01, v5;
	v5 =	vld [tilespmem:s16+$0x4000]  }
0x147: {  	[tilespmem:s16+$0x3C20] =	vst v3;
	v3 =	vmul.f32 $2.771281240e+01, v6;
	v6 =	vld [tilespmem:s16+$0x4010]  }
0x148: {  	v10 =	vld [tilespmem:s16+$0x4020];
	[tilespmem:s16+$0x3C30] =	vst v4;
	v4 =	vmul.f32 $2.771281240e+01, v7  }
0x149: {  	[tilespmem:s16+$0x3C40] =	vst v3;
	v3 =	vmul.f32 $2.771281240e+01, v8;
	v8 =	vld [tilespmem:s16+$0x4030]  }
0x14a: {  	v11 =	vld [tilespmem:s16+$0x4040];
	[tilespmem:s16+$0x3C50] =	vst v4;
	v4 =	vmul.f32 $2.771281240e+01, v9  }
0x14b: {  	v7 =	vld [tilespmem:s16+$0x4050];
	[tilespmem:s16+$0x3C60] =	vst v3;
	v3 =	vmul.f32 $2.771281240e+01, v5  }
0x14c: {  	v5 =	vld [tilespmem:s16+$0x4060];
	[tilespmem:s16+$0x3C70] =	vst v4;
	v4 =	vmul.f32 $2.771281240e+01, v6  }
0x14d: {  	v6 =	vld [tilespmem:s16+$0x4070];
	[tilespmem:s16+$0x4000] =	vst v3;
	v3 =	vmul.f32 $2.771281240e+01, v10  }
0x14e: {  	[tilespmem:s16+$0x4010] =	vst v4;
	v4 =	vld [tilespmem:s16+$0x4400];
	v9 =	vmul.f32 $2.771281240e+01, v8  }
0x14f: {  	s18 =	simm.s32 $0x1;
	v8 =	vmul.f32 $2.771281240e+01, v11;
	[tilespmem:s16+$0x4020] =	vst v3;
	v3 =	vld [tilespmem:s16+$0x4410]  }
.LBB2_5:
0x150: {  	s19 =	sshrl.u32 s18, $0x3;
	p0 =	sne.s32 s18, $0xF;
	[tilespmem:s16+$0x4030] =	vst v9;
	v7 =	vmul.f32 $2.771281240e+01, v7;
	v9 =	vld [tilespmem:s16+$0x4420]  }
0x151: {  	s19 =	smul.u32 $0x6000, s19;
	[tilespmem:s16+$0x4040] =	vst v8;
	v5 =	vmul.f32 $2.771281240e+01, v5;
	v8 =	vld [tilespmem:s16+$0x4430]  }
0x152: {  	[tilespmem:s16+$0x4050] =	vst v7;
	v6 =	vmul.f32 $2.771281240e+01, v6;
	v7 =	vld [tilespmem:s16+$0x4440]  }
0x153: {  	s17 =	sadd.s32 $0x80, s17;
	s19 =	sshra.s32 s19, $0x2;
	[tilespmem:s16+$0x4060] =	vst v5;
	v4 =	vmul.f32 $2.771281240e+01, v4;
	v5 =	vld [tilespmem:s16+$0x4450]  }
0x154: {  	s20 =	sand.u32 $0x380, s17;
	s19 =	sadd.s32 s19, s13;
	[tilespmem:s16+$0x4070] =	vst v6;
	v3 =	vmul.f32 $2.771281240e+01, v3;
	v6 =	vld [tilespmem:s16+$0x4460]  }
0x155: {  	s19 =	sadd.s32 s20, s19;
	[tilespmem:s16+$0x4400] =	vst v4;
	v4 =	vmul.f32 $2.771281240e+01, v9;
	v9 =	vld [tilespmem:s16+$0x4470]  }
0x156: {  	v10 =	vld [tilespmem:s19+$0x3000];
	[tilespmem:s16+$0x4410] =	vst v3;
	v3 =	vmul.f32 $2.771281240e+01, v8  }
0x157: {  	v8 =	vld [tilespmem:s19+$0x3010];
	[tilespmem:s16+$0x4420] =	vst v4;
	v4 =	vmul.f32 $2.771281240e+01, v7  }
0x158: {  	v7 =	vld [tilespmem:s19+$0x3020];
	[tilespmem:s16+$0x4430] =	vst v3;
	v3 =	vmul.f32 $2.771281240e+01, v5  }
0x159: {  	v5 =	vld [tilespmem:s19+$0x3030];
	[tilespmem:s16+$0x4440] =	vst v4;
	v4 =	vmul.f32 $2.771281240e+01, v6  }
0x15a: {  	v6 =	vld [tilespmem:s19+$0x3040];
	[tilespmem:s16+$0x4450] =	vst v3;
	v3 =	vmul.f32 $2.771281240e+01, v9  }
0x15b: {  	v9 =	vmul.f32 $2.771281240e+01, v10;
	v10 =	vld [tilespmem:s19+$0x3050];
	[tilespmem:s16+$0x4460] =	vst v4  }
0x15c: {  	v4 =	vmul.f32 $2.771281240e+01, v8;
	v8 =	vld [tilespmem:s19+$0x3060];
	[tilespmem:s16+$0x4470] =	vst v3;
	s16 =	smov.u32 s19  }
0x15d: {  	[tilespmem:s16+$0x3000] =	vst v9;
	v3 =	vmul.f32 $2.771281240e+01, v7;
	v7 =	vld [tilespmem:s16+$0x3070]  }
0x15e: {  	[tilespmem:s16+$0x3010] =	vst v4;
	v4 =	vmul.f32 $2.771281240e+01, v5;
	v5 =	vld [tilespmem:s16+$0x3400]  }
0x15f: {  	[tilespmem:s16+$0x3020] =	vst v3;
	v3 =	vmul.f32 $2.771281240e+01, v6;
	v6 =	vld [tilespmem:s16+$0x3410]  }
0x160: {  	[tilespmem:s16+$0x3030] =	vst v4;
	v4 =	vmul.f32 $2.771281240e+01, v10;
	v9 =	vld [tilespmem:s16+$0x3420]  }
0x161: {  	[tilespmem:s16+$0x3040] =	vst v3;
	v3 =	vmul.f32 $2.771281240e+01, v8;
	v8 =	vld [tilespmem:s16+$0x3430]  }
0x162: {  	[tilespmem:s16+$0x3050] =	vst v4;
	v4 =	vmul.f32 $2.771281240e+01, v7;
	v7 =	vld [tilespmem:s16+$0x3440]  }
0x163: {  	[tilespmem:s16+$0x3060] =	vst v3;
	v3 =	vmul.f32 $2.771281240e+01, v5;
	v5 =	vld [tilespmem:s16+$0x3450]  }
0x164: {  	[tilespmem:s16+$0x3070] =	vst v4;
	v4 =	vmul.f32 $2.771281240e+01, v6;
	v6 =	vld [tilespmem:s16+$0x3460]  }
0x165: {  	[tilespmem:s16+$0x3400] =	vst v3;
	v3 =	vmul.f32 $2.771281240e+01, v9;
	v9 =	vld [tilespmem:s16+$0x3470]  }
0x166: {  	[tilespmem:s16+$0x3410] =	vst v4;
	v4 =	vmul.f32 $2.771281240e+01, v8;
	v8 =	vld [tilespmem:s16+$0x3800]  }
0x167: {  	[tilespmem:s16+$0x3420] =	vst v3;
	v3 =	vmul.f32 $2.771281240e+01, v7;
	v7 =	vld [tilespmem:s16+$0x3810]  }
0x168: {  	[tilespmem:s16+$0x3430] =	vst v4;
	v4 =	vmul.f32 $2.771281240e+01, v5;
	v5 =	vld [tilespmem:s16+$0x3820]  }
0x169: {  	[tilespmem:s16+$0x3440] =	vst v3;
	v3 =	vmul.f32 $2.771281240e+01, v6;
	v6 =	vld [tilespmem:s16+$0x3830]  }
0x16a: {  	[tilespmem:s16+$0x3450] =	vst v4;
	v4 =	vmul.f32 $2.771281240e+01, v9;
	v9 =	vld [tilespmem:s16+$0x3840]  }
0x16b: {  	[tilespmem:s16+$0x3460] =	vst v3;
	v3 =	vmul.f32 $2.771281240e+01, v8;
	v8 =	vld [tilespmem:s16+$0x3850]  }
0x16c: {  	[tilespmem:s16+$0x3470] =	vst v4;
	v4 =	vmul.f32 $2.771281240e+01, v7;
	v7 =	vld [tilespmem:s16+$0x3860]  }
0x16d: {  	[tilespmem:s16+$0x3800] =	vst v3;
	v3 =	vmul.f32 $2.771281240e+01, v5;
	v5 =	vld [tilespmem:s16+$0x3870]  }
0x16e: {  	[tilespmem:s16+$0x3810] =	vst v4;
	v4 =	vmul.f32 $2.771281240e+01, v6;
	v6 =	vld [tilespmem:s16+$0x3C00]  }
0x16f: {  	[tilespmem:s16+$0x3820] =	vst v3;
	v3 =	vmul.f32 $2.771281240e+01, v9;
	v9 =	vld [tilespmem:s16+$0x3C10]  }
0x170: {  	[tilespmem:s16+$0x3830] =	vst v4;
	v4 =	vmul.f32 $2.771281240e+01, v8;
	v8 =	vld [tilespmem:s16+$0x3C20]  }
0x171: {  	[tilespmem:s16+$0x3840] =	vst v3;
	v3 =	vmul.f32 $2.771281240e+01, v7;
	v7 =	vld [tilespmem:s16+$0x3C30]  }
0x172: {  	[tilespmem:s16+$0x3850] =	vst v4;
	v4 =	vmul.f32 $2.771281240e+01, v5;
	v5 =	vld [tilespmem:s16+$0x3C40]  }
0x173: {  	[tilespmem:s16+$0x3860] =	vst v3;
	v3 =	vmul.f32 $2.771281240e+01, v6;
	v6 =	vld [tilespmem:s16+$0x3C50]  }
0x174: {  	[tilespmem:s16+$0x3870] =	vst v4;
	v4 =	vmul.f32 $2.771281240e+01, v9;
	v9 =	vld [tilespmem:s16+$0x3C60]  }
0x175: {  	[tilespmem:s16+$0x3C00] =	vst v3;
	v3 =	vmul.f32 $2.771281240e+01, v8;
	v8 =	vld [tilespmem:s16+$0x3C70]  }
0x176: {  	[tilespmem:s16+$0x3C10] =	vst v4;
	v4 =	vmul.f32 $2.771281240e+01, v7;
	v7 =	vld [tilespmem:s16+$0x4000]  }
0x177: {  	[tilespmem:s16+$0x3C20] =	vst v3;
	v3 =	vmul.f32 $2.771281240e+01, v5;
	v5 =	vld [tilespmem:s16+$0x4010]  }
0x178: {  	[tilespmem:s16+$0x3C30] =	vst v4;
	v4 =	vmul.f32 $2.771281240e+01, v6;
	v6 =	vld [tilespmem:s16+$0x4020]  }
0x179: {  	[tilespmem:s16+$0x3C40] =	vst v3;
	v3 =	vmul.f32 $2.771281240e+01, v9;
	v9 =	vld [tilespmem:s16+$0x4030]  }
0x17a: {  	[tilespmem:s16+$0x3C50] =	vst v4;
	v4 =	vmul.f32 $2.771281240e+01, v8;
	v8 =	vld [tilespmem:s16+$0x4040]  }
.Ltmp1:
0x17b: {  	[tilespmem:s16+$0x3C60] =	vst v3;
	v3 =	vmul.f32 $2.771281240e+01, v7;
	v7 =	vld [tilespmem:s16+$0x4050];
	(pc) =	sbr.rel @p0 .LBB2_5-.Ltmp1, $4  }
0x17c: {  	[tilespmem:s16+$0x3C70] =	vst v4;
	v4 =	vmul.f32 $2.771281240e+01, v5;
	v5 =	vld [tilespmem:s16+$0x4060]  }
0x17d: {  	[tilespmem:s16+$0x4000] =	vst v3;
	v3 =	vmul.f32 $2.771281240e+01, v6;
	v6 =	vld [tilespmem:s16+$0x4070]  }
0x17e: {  	[tilespmem:s16+$0x4010] =	vst v4;
	v9 =	vmul.f32 $2.771281240e+01, v9;
	v4 =	vld [tilespmem:s16+$0x4400]  }
0x17f: {  	s18 =	sadd.s32 $0x1, s18;
	[tilespmem:s16+$0x4020] =	vst v3;
	v8 =	vmul.f32 $2.771281240e+01, v8;
	v3 =	vld [tilespmem:s16+$0x4410]  }
0x180: {  	[tilespmem:s16+$0x4030] =	vst v9;
	v7 =	vmul.f32 $2.771281240e+01, v7;
	v55 =	vld [tilespmem:s16+$0x4420]  }
0x181: {  	v56 =	vld [tilespmem:s16+$0x4430];
	[tilespmem:s16+$0x4040] =	vst v8;
	v5 =	vmul.f32 $2.771281240e+01, v5  }
0x182: {  	v57 =	vld [tilespmem:s16+$0x4440];
	[tilespmem:s16+$0x4050] =	vst v7;
	v6 =	vmul.f32 $2.771281240e+01, v6  }
0x183: {  	v58 =	vld [tilespmem:s16+$0x4450];
	[tilespmem:s16+$0x4060] =	vst v5;
	v4 =	vmul.f32 $2.771281240e+01, v4  }
0x184: {  	v59 =	vld [tilespmem:s16+$0x4460];
	[tilespmem:s16+$0x4070] =	vst v6;
	v3 =	vmul.f32 $2.771281240e+01, v3  }
0x185: {  	v61 =	vld [tilespmem:s16+$0x4470];
	[tilespmem:s16+$0x4400] =	vst v4;
	v60 =	vmul.f32 $2.771281240e+01, v55  }
0x186: {  	[tilespmem:s16+$0x4410] =	vst v3;
	v3 =	vmul.f32 $2.771281240e+01, v56  }
0x187: {  	s3 =	sadd.s32 $0x1, s3;
	v62 =	vmul.f32 $2.771281240e+01, v57;
	[tilespmem:s16+$0x4420] =	vst v60  }
0x188: {  	s13 =	smul.u32 $0x1800, s15;
	p0 =	sne.s32 s3, $0x10;
	[tilespmem:s16+$0x4430] =	vst v3;
	v3 =	vmul.f32 $2.771281240e+01, v58  }
.Ltmp2:
0x189: {  	v63 =	vmul.f32 $2.771281240e+01, v59;
	[tilespmem:s16+$0x4440] =	vst v62;
	(pc) =	sbr.rel @p0 .LBB2_2-.Ltmp2, $4  }
0x18a: {  	s13 =	sshrl.u32 s13, $0x3;
	[tilespmem:s16+$0x4450] =	vst v3;
	v3 =	vmul.f32 $2.771281240e+01, v61  }
0x18b: {  	s13 =	sadd.s32 s2, s13;
	[tilespmem:s16+$0x4460] =	vst v63  }
0x18c: {  	s10 =	sadd.s32 $0x3200, s10;
	s13 =	sadd.s32 $0x600, s13;
	[tilespmem:s16+$0x4470] =	vst v3  }
0x18d: {  	[hbm4b:s13+s4] =	stream.linear.scatter [tilespmem:s10], [sflag:s14], $0x3000, $0x38;
	[tilespmem:$0x18200] =	vst v63  }
0x18e: {  	_ =	swait.ge [sflag:s28], $0x6000  }
0x18f: {  	[sflag:s28] =	ssyncset.done $0x0  }
0x190: {  	[sflag:s28] =	ssyncadd.s32 $0xFFFFA000  }
0x191: {  	_ =	swait.ge [sflag:s29], $0x6000  }
0x192: {  	[sflag:s29] =	ssyncset.done $0x0  }
0x193: {  	s0 =	sadd.s32 $0x1, s0;
	[sflag:s29] =	ssyncadd.s32 $0xFFFFA000  }
0x194: {  	p0 =	sne.s32 s0, s9;
	_ =	swait.ge [sflag:s30], $0x6000  }
.Ltmp3:
0x195: {  	[sflag:s30] =	ssyncset.done $0x0;
	(pc) =	sbr.rel @p0 .LBB2_1-.Ltmp3, $4  }
0x196: {  	[sflag:s30] =	ssyncadd.s32 $0xFFFFA000  }
0x197: {  	_ =	swait.ge [sflag:s31], $0x6000  }
0x198: {  	[sflag:s31] =	ssyncset.done $0x0  }
0x199: {  	[sflag:s31] =	ssyncadd.s32 $0xFFFFA000  }
0x19a: {  	_ =	sfence.sel $0x180000  }
0x19b: {  	[bflag:$0x0] =	sbarrier.arrive $0xFFFF  }
0x19c: {  	_ =	strace $0x90000047  }
0x19d: {  	s0 =	stileid.u32;
	[bflag:$0x2] =	sbarrier.arrive $0xFFFF  }
0x19e: {  	p0 =	sne.s32 s0, $0x0;
	s0 =	rddreg [dreg:$0x3]  }
0x19f: {  	s0 =	sadd.s32 @!p0 $0x100000, s0  }
0x1a0: {  	[sflag:s0] =	ssyncadd.tile.s32 @!p0 $0x1;
	_ =	shalt  }
.Lfunc_end2:
_tile_overlayer_lowered:
.L_overlay_start_2:
0x1a1: {  	(tag) =	ssettag $0x2  }
0x1a2: {  	s0 =	rddreg [dreg:$0x0];
	s2 =	stileid.u32  }
0x1a3: {  	s1 =	rddreg [dreg:$0x1];
	p0 =	sne.s32 s2, $0x0  }
0x1a4: {  	s3 =	rddreg [dreg:$0x2];
	[bflag:$0x3] =	sbarrier.arrive $0xFFFF;
	s2 =	simm.s32 @!p0 $0x1C09  }
0x1a5: {  	[timem:s3], [sflag:s2] =	dma.local @!p0 [hbm:s0], s1  }
0x1a6: {  	s0 =	simm.s32 @!p0 $0x9  }
0x1a7: {  	_ =	swait.ge @!p0 [sflag:s0], s1  }
0x1a8: {  	s1 =	ssub.s32 @!p0 $0x0, s1;
	[sflag:s0] =	ssyncset.done @!p0 $0x0  }
0x1a9: {  	[sflag:s0] =	ssyncadd.s32 @!p0 s1  }
0x1aa: {  	[bflag:$0x3] =	sbarrier.arrive $0xFFFF  }
0x1ab: {  	_ =	shalt  }

</sc_bundles>
